<compile_context>
chip_gen: v7x
topology: tpu7x:2x2x1
jax: 0.10.2.dev20260603
libtpu: 0.0.44.dev20260713+nightly
codegen_flags: <defaults>
</compile_context>

<pallas_src>
import functools

import jax
import jax.numpy as jnp
from jax import lax
from jax.experimental import pallas as pl
from jax.experimental.pallas import tpu as pltpu
from jax.experimental.pallas import tpu_sc as plsc

NC = 2
NS = 16
L = 16
CH = 128


def _sc_aggregate(ego_halves, head, tail, etype, relw_halves,
                  n_nodes, n_rel, n_acc, chunks_per_tile):
  dh = ego_halves.shape[1]
  rpt = n_acc // NS
  wb_sizes = [CH] * (rpt // CH) + ([rpt % CH] if rpt % CH else [])
  mesh = plsc.VectorSubcoreMesh(core_axis_name="c", subcore_axis_name="s",
                                num_cores=NC, num_subcores=NS)

  @functools.partial(
      pl.kernel,
      out_type=(
          jax.ShapeDtypeStruct((NC * n_acc, dh), jnp.float32),
          jax.ShapeDtypeStruct((n_acc, L), jnp.float32),
      ),
      mesh=mesh,
      compiler_params=pltpu.CompilerParams(use_tc_tiling_on_sc=False),
      scratch_types=[
          pltpu.VMEM((CH,), jnp.int32),
          pltpu.VMEM((CH,), jnp.int32),
          pltpu.VMEM((CH,), jnp.int32),
          pltpu.VMEM((CH,), jnp.int32),
          pltpu.VMEM((CH,), jnp.int32),
          pltpu.VMEM((CH,), jnp.int32),
          pltpu.VMEM((CH, dh), jnp.float32),
          pltpu.VMEM((CH, dh), jnp.float32),
          pltpu.VMEM((CH, dh), jnp.float32),
          pltpu.VMEM((CH, dh), jnp.float32),
          pltpu.VMEM((CH, L), jnp.float32),
          pltpu.VMEM_SHARED((n_rel, dh), jnp.float32),
          pltpu.VMEM_SHARED((n_acc, dh), jnp.float32),
          pltpu.VMEM_SHARED((n_acc, L), jnp.float32),
          pltpu.SemaphoreType.DMA,
          pltpu.SemaphoreType.DMA,
          pltpu.SemaphoreType.DMA,
          pltpu.SemaphoreType.DMA,
          pltpu.SemaphoreType.DMA,
          pltpu.SemaphoreType.DMA,
          pltpu.SemaphoreType.DMA,
          pltpu.SemaphoreType.DMA,
      ],
  )
  def agg(ego_hbm, head_hbm, tail_hbm, etype_hbm, relw_hbm,
          out_val, out_cnt, tail_idx0, tail_idx1, head_idx0, head_idx1,
          type_idx0, type_idx1, tail_rows0, tail_rows1,
          rel_rows0, rel_rows1, cnt_rows, rel_tab, acc_val, acc_cnt,
          gsem0, gsem1, rsem0, rsem1, isem0, isem1, ssem0, ssem1):
    tail_idx = (tail_idx0, tail_idx1)
    head_idx = (head_idx0, head_idx1)
    type_idx = (type_idx0, type_idx1)
    tail_rows = (tail_rows0, tail_rows1)
    rel_rows = (rel_rows0, rel_rows1)
    gsem = (gsem0, gsem1)
    rsem = (rsem0, rsem1)
    isem = (isem0, isem1)
    ssem = (ssem0, ssem1)
    c = lax.axis_index("c")
    s = lax.axis_index("s")
    zv = jnp.zeros((L,), jnp.float32)

    def zero_body(i, _):
      for j in range(dh // L):
        tail_rows0[i, pl.ds(j * L, L)] = zv
      cnt_rows[i, :] = zv
      return 0
    lax.fori_loop(0, CH, zero_body, 0)
    row0 = s * rpt
    off = 0
    for sz in wb_sizes:
      pltpu.sync_copy(tail_rows0.at[pl.ds(0, sz)],
                      acc_val.at[pl.ds(row0 + off, sz)])
      pltpu.sync_copy(cnt_rows.at[pl.ds(0, sz)],
                      acc_cnt.at[pl.ds(row0 + off, sz)])
      off += sz

    one_hot = jnp.where(lax.iota(jnp.int32, L) == 0,
                        jnp.float32(1.0), jnp.float32(0.0))
    def oh_body(i, _):
      cnt_rows[i, :] = one_hot
      return 0
    lax.fori_loop(0, CH, oh_body, 0)

    @pl.when(s == 0)
    def _():
      pltpu.sync_copy(relw_hbm.at[pl.ds(c * n_rel, n_rel)], rel_tab)

    plsc.subcore_barrier()

    e_base = s * (chunks_per_tile * CH)
    tail_base = c * (chunks_per_tile * CH * NS)
    n_chunks = chunks_per_tile

    def stage_idx(g, b):
      base = e_base + g * CH
      c1 = pltpu.async_copy(tail_hbm.at[pl.ds(tail_base + base, CH)],
                            tail_idx[b], isem[b])
      c2 = pltpu.async_copy(head_hbm.at[pl.ds(base, CH)], head_idx[b],
                            isem[b])
      c3 = pltpu.async_copy(etype_hbm.at[pl.ds(base, CH)], type_idx[b],
                            isem[b])
      c1.wait()
      c2.wait()
      c3.wait()

    def fire_ego(b):
      return pltpu.async_copy(ego_hbm.at[tail_idx[b]], tail_rows[b],
                              gsem[b])

    def fire_rel(b):
      return pltpu.async_copy(rel_tab.at[type_idx[b]], rel_rows[b],
                              rsem[b])

    def fire_scatter(b):
      pltpu.async_copy(rel_rows[b], acc_val.at[head_idx[b]], ssem[b],
                       add=True)
      @pl.when(c == 0)
      def _():
        pltpu.async_copy(cnt_rows, acc_cnt.at[head_idx[b]], ssem[b],
                         add=True)

    def wait_scatter(b):
      pltpu.make_async_copy(rel_rows[b], acc_val.at[head_idx[b]],
                            ssem[b]).wait()
      @pl.when(c == 0)
      def _():
        pltpu.make_async_copy(cnt_rows, acc_cnt.at[head_idx[b]],
                              ssem[b]).wait()

    def mul(b):
      def mul_body(i, _):
        for j in range(dh // L):
          sl = pl.ds(j * L, L)
          rel_rows[b][i, sl] = rel_rows[b][i, sl] * tail_rows[b][i, sl]
        return 0
      lax.fori_loop(0, CH, mul_body, 0)

    def wait_ego(b):
      pltpu.make_async_copy(ego_hbm.at[tail_idx[b]], tail_rows[b],
                            gsem[b]).wait()

    def wait_rel(b):
      pltpu.make_async_copy(rel_tab.at[type_idx[b]], rel_rows[b],
                            rsem[b]).wait()

    n_rounds = n_chunks // 2

    for b in range(2):
      stage_idx(b, b)
      fire_ego(b)
      fire_rel(b)

    def round_body(r, _):
      for b in range(2):
        wait_ego(b)
        wait_rel(b)
        mul(b)
        fire_scatter(b)
      @pl.when(r + 1 < n_rounds)
      def _():
        for b in range(2):
          wait_scatter(b)
          stage_idx(2 * (r + 1) + b, b)
          fire_ego(b)
          fire_rel(b)
      return 0
    lax.fori_loop(0, n_rounds, round_body, 0)
    wait_scatter(0)
    wait_scatter(1)

    plsc.subcore_barrier()

    out_base = c * n_acc + row0
    off = 0
    for sz in wb_sizes:
      pltpu.sync_copy(acc_val.at[pl.ds(row0 + off, sz)],
                      tail_rows0.at[pl.ds(0, sz)])
      pltpu.sync_copy(tail_rows0.at[pl.ds(0, sz)],
                      out_val.at[pl.ds(out_base + off, sz)])
      off += sz
    @pl.when(c == 0)
    def _():
      o = 0
      for sz in wb_sizes:
        pltpu.sync_copy(acc_cnt.at[pl.ds(row0 + o, sz)],
                        cnt_rows.at[pl.ds(0, sz)])
        pltpu.sync_copy(cnt_rows.at[pl.ds(0, sz)],
                        out_cnt.at[pl.ds(row0 + o, sz)])
        o += sz

  return agg(ego_halves, head, tail, etype, relw_halves)


def _combine_body(v_ref, c_ref, o_ref):
  v = v_ref[...]
  deg = jnp.maximum(c_ref[0, :, :1], 1.0)
  o_ref[...] = jnp.concatenate([v[0], v[1]], axis=1) / deg


def kernel(ego_embed, edge_index, edge_type, relation_weight):
  n_nodes, d = ego_embed.shape
  n_rel = relation_weight.shape[0]
  e = edge_index.shape[1]
  dh = d // NC
  head = edge_index[0].astype(jnp.int32)
  tail = edge_index[1].astype(jnp.int32)
  etype = edge_type.astype(jnp.int32)

  ego_halves = jnp.concatenate([ego_embed[:, :dh], ego_embed[:, dh:]], 0)
  relw_halves = jnp.concatenate(
      [relation_weight[:, :dh], relation_weight[:, dh:]], 0)

  quantum = NS * CH * 2
  e_pad = ((e + quantum - 1) // quantum) * quantum
  if e_pad > e:
    pad = e_pad - e
    head = jnp.concatenate([head, jnp.full((pad,), n_nodes, jnp.int32)])
    tail = jnp.concatenate([tail, jnp.zeros((pad,), jnp.int32)])
    etype = jnp.concatenate([etype, jnp.zeros((pad,), jnp.int32)])
  chunks_per_tile = e_pad // (NS * CH)

  n_acc = ((n_nodes + 1 + NS * 8 - 1) // (NS * 8)) * (NS * 8)

  tail_stacked = jnp.concatenate([tail, tail + jnp.int32(n_nodes)])
  val_parts, cnt_part = _sc_aggregate(
      ego_halves, head, tail_stacked, etype, relw_halves,
      n_nodes, n_rel, n_acc, chunks_per_tile)
  val_parts = val_parts.reshape(NC, n_acc, dh)
  cnt_part = cnt_part.reshape(1, n_acc, L)

  br = 1000
  assert n_nodes % br == 0
  return pl.pallas_call(
      _combine_body,
      grid=(n_nodes // br,),
      in_specs=[
          pl.BlockSpec((NC, br, dh), lambda i: (0, i, 0)),
          pl.BlockSpec((1, br, L), lambda i: (0, i, 0)),
      ],
      out_specs=pl.BlockSpec((br, d), lambda i: (i, 0)),
      out_shape=jax.ShapeDtypeStruct((n_nodes, d), jnp.float32),
  )(val_parts, cnt_part)

# --- scband reference (transcript-rebuilt; emitter-appended) ---
"""Pipeline reference for scband-aggregator-53455162966709 (READ-ONLY COPY).

The authoritative reference and input builder live on the scoring server;
editing this copy changes nothing except your own understanding.
"""

import jax, jax.numpy as jnp
import numpy as np

N_NODES = 10000
N_EDGES = 320000
D = 128
N_REL = 32

def setup_inputs(seed: int = 0) -> dict:
    key = jax.random.key(seed)
    k1, k2, k3, k4 = jax.random.split(key, 4)
    ego_embed = jax.random.normal(k1, (N_NODES, D), dtype=jnp.float32)
    edge_index = jax.random.randint(k2, (2, N_EDGES), 0, N_NODES)
    edge_type = jax.random.randint(k3, (N_EDGES,), 0, N_REL)
    relation_weight = jax.random.normal(k4, (N_REL, D), dtype=jnp.float32)
    return {
        "ego_embed": ego_embed,
        "edge_index": edge_index,
        "edge_type": edge_type,
        "relation_weight": relation_weight,
    }

def reference(ego_embed, edge_index, edge_type, relation_weight):
    # Relational path-aware aggregation (KGIN-style):
    # gather tail embeddings, modulate by relation embedding, scatter-mean to head nodes.
    head = edge_index[0]
    tail = edge_index[1]
    n_entities = ego_embed.shape[0]
    tail_emb = jnp.take(ego_embed, tail, axis=0)              # gather [E, D]
    relation_emb = jnp.take(relation_weight, edge_type, axis=0)  # gather [E, D]
    neigh_relation_emb = tail_emb * relation_emb               # [E, D]
    agg_sum = jax.ops.segment_sum(neigh_relation_emb, head, num_segments=n_entities)  # scatter-add [N, D]
    deg = jax.ops.segment_sum(jnp.ones((head.shape[0], 1), dtype=ego_embed.dtype), head, num_segments=n_entities)
    entity_agg = agg_sum / jnp.maximum(deg, 1.0)               # scatter-mean
    return entity_agg

if __name__ == "__main__":
    import jax
    _d = setup_inputs()
    print(jax.jit(kernel)(*tuple(_d.values())))

</pallas_src>

<mosaic_0001>
#map = affine_map<(d0, d1) -> (0, 0)>
#map1 = affine_map<(d0, d1) -> (0)>
module attributes {stable_mosaic.version = 14 : i64} {
  func.func @agg(%arg0: i32, %arg1: i32, %arg2: memref<20000x64xf32, #tpu.memory_space<hbm>>, %arg3: memref<323584xi32, #tpu.memory_space<hbm>>, %arg4: memref<647168xi32, #tpu.memory_space<hbm>>, %arg5: memref<323584xi32, #tpu.memory_space<hbm>>, %arg6: memref<64x64xf32, #tpu.memory_space<hbm>>, %arg7: memref<20224x64xf32, #tpu.memory_space<hbm>>, %arg8: memref<10112x16xf32, #tpu.memory_space<hbm>>, %arg9: memref<128xi32, #tpu.memory_space<vmem>>, %arg10: memref<128xi32, #tpu.memory_space<vmem>>, %arg11: memref<128xi32, #tpu.memory_space<vmem>>, %arg12: memref<128xi32, #tpu.memory_space<vmem>>, %arg13: memref<128xi32, #tpu.memory_space<vmem>>, %arg14: memref<128xi32, #tpu.memory_space<vmem>>, %arg15: memref<128x64xf32, #tpu.memory_space<vmem>>, %arg16: memref<128x64xf32, #tpu.memory_space<vmem>>, %arg17: memref<128x64xf32, #tpu.memory_space<vmem>>, %arg18: memref<128x64xf32, #tpu.memory_space<vmem>>, %arg19: memref<128x16xf32, #tpu.memory_space<vmem>>, %arg20: memref<32x64xf32, #tpu.memory_space<vmem_shared>>, %arg21: memref<10112x64xf32, #tpu.memory_space<vmem_shared>>, %arg22: memref<10112x16xf32, #tpu.memory_space<vmem_shared>>, %arg23: memref<!tpu.dma_semaphore, #tpu.memory_space<semaphore_mem>>, %arg24: memref<!tpu.dma_semaphore, #tpu.memory_space<semaphore_mem>>, %arg25: memref<!tpu.dma_semaphore, #tpu.memory_space<semaphore_mem>>, %arg26: memref<!tpu.dma_semaphore, #tpu.memory_space<semaphore_mem>>, %arg27: memref<!tpu.dma_semaphore, #tpu.memory_space<semaphore_mem>>, %arg28: memref<!tpu.dma_semaphore, #tpu.memory_space<semaphore_mem>>, %arg29: memref<!tpu.dma_semaphore, #tpu.memory_space<semaphore_mem>>, %arg30: memref<!tpu.dma_semaphore, #tpu.memory_space<semaphore_mem>>) attributes {dimension_semantics = [#tpu.dimension_semantics<core_parallel>, #tpu.dimension_semantics<subcore_parallel>], iteration_bounds = array<i64: 2, 16>, scalar_prefetch = 0 : i64, scratch_operands = 22 : i64, tpu.core_type = #tpu.core_type<sc_vector_subcore>, window_params = [{transform_indices = #map}, {transform_indices = #map1}, {transform_indices = #map1}, {transform_indices = #map1}, {transform_indices = #map}, {transform_indices = #map}, {transform_indices = #map}]} {
    %broadcast_in_dim3A = arith.constant 0.000000e+00 : f32
    %broadcast_in_dim3A_0 = vector.broadcast %broadcast_in_dim3A : f32 to vector<16xf32>
    %scan3A = arith.constant 0 : i32
    %scan3A_1 = arith.constant 0 : i32
    %scan3A_2 = arith.constant 128 : i32
    %scan3A_3 = arith.addi %scan3A_1, %scan3A_2 : i32
    %scan3A_4 = arith.constant 1 : i32
    %scan3A_5 = scf.for %scan3A_138 = %scan3A_1 to %scan3A_3 step %scan3A_4 iter_args(%scan3A_139 = %scan3A) -> (i32)  : i32 {
      %swap3A = arith.index_cast %scan3A_138 : i32 to index
      %swap3A_140 = arith.constant 0 : index
      %swap3A_141 = tpu.vector_load %arg15[%swap3A, %swap3A_140] {strides = array<i32>} : memref<128x64xf32, #tpu.memory_space<vmem>>, vector<1x16xf32>,
      %swap3A_142 = vector.shape_cast %swap3A_141 : vector<1x16xf32> to vector<16xf32>
      %swap3A_143 = vector.shape_cast %broadcast_in_dim3A_0 : vector<16xf32> to vector<1x16xf32>
      tpu.vector_store %arg15[%swap3A, %swap3A_140], %swap3A_143 {strides = array<i32>} : memref<128x64xf32, #tpu.memory_space<vmem>>, vector<1x16xf32>,
      %swap3A_144 = arith.index_cast %scan3A_138 : i32 to index
      %swap3A_145 = arith.constant 16 : index
      %swap3A_146 = tpu.vector_load %arg15[%swap3A_144, %swap3A_145] {strides = array<i32>} : memref<128x64xf32, #tpu.memory_space<vmem>>, vector<1x16xf32>,
      %swap3A_147 = vector.shape_cast %swap3A_146 : vector<1x16xf32> to vector<16xf32>
      %swap3A_148 = vector.shape_cast %broadcast_in_dim3A_0 : vector<16xf32> to vector<1x16xf32>
      tpu.vector_store %arg15[%swap3A_144, %swap3A_145], %swap3A_148 {strides = array<i32>} : memref<128x64xf32, #tpu.memory_space<vmem>>, vector<1x16xf32>,
      %swap3A_149 = arith.index_cast %scan3A_138 : i32 to index
      %swap3A_150 = arith.constant 32 : index
      %swap3A_151 = tpu.vector_load %arg15[%swap3A_149, %swap3A_150] {strides = array<i32>} : memref<128x64xf32, #tpu.memory_space<vmem>>, vector<1x16xf32>,
      %swap3A_152 = vector.shape_cast %swap3A_151 : vector<1x16xf32> to vector<16xf32>
      %swap3A_153 = vector.shape_cast %broadcast_in_dim3A_0 : vector<16xf32> to vector<1x16xf32>
      tpu.vector_store %arg15[%swap3A_149, %swap3A_150], %swap3A_153 {strides = array<i32>} : memref<128x64xf32, #tpu.memory_space<vmem>>, vector<1x16xf32>,
      %swap3A_154 = arith.index_cast %scan3A_138 : i32 to index
      %swap3A_155 = arith.constant 48 : index
      %swap3A_156 = tpu.vector_load %arg15[%swap3A_154, %swap3A_155] {strides = array<i32>} : memref<128x64xf32, #tpu.memory_space<vmem>>, vector<1x16xf32>,
      %swap3A_157 = vector.shape_cast %swap3A_156 : vector<1x16xf32> to vector<16xf32>
      %swap3A_158 = vector.shape_cast %broadcast_in_dim3A_0 : vector<16xf32> to vector<1x16xf32>
      tpu.vector_store %arg15[%swap3A_154, %swap3A_155], %swap3A_158 {strides = array<i32>} : memref<128x64xf32, #tpu.memory_space<vmem>>, vector<1x16xf32>,
      %swap3A_159 = arith.index_cast %scan3A_138 : i32 to index
      %swap3A_160 = arith.constant 0 : index
      %swap3A_161 = tpu.vector_load %arg19[%swap3A_159, %swap3A_160] {strides = array<i32>} : memref<128x16xf32, #tpu.memory_space<vmem>>, vector<1x16xf32>,
      %swap3A_162 = vector.shape_cast %swap3A_161 : vector<1x16xf32> to vector<16xf32>
      %swap3A_163 = vector.shape_cast %broadcast_in_dim3A_0 : vector<16xf32> to vector<1x16xf32>
      tpu.vector_store %arg19[%swap3A_159, %swap3A_160], %swap3A_163 {strides = array<i32>} : memref<128x16xf32, #tpu.memory_space<vmem>>, vector<1x16xf32>,
      %scan3A_164 = arith.constant 0 : i32
      scf.yield %scan3A_164 : i32
    }
    %scan3A_6 = arith.constant 128 : i32
    %mul3A = arith.constant 632 : i32
    %mul3A_7 = arith.muli %arg1, %mul3A : i32
    %add3A = arith.constant 0 : i32
    %add3A_8 = arith.addi %mul3A_7, %add3A : i32
    "tpu.region"() ({
      %run_scoped3A = tpu.sem_alloc : memref<!tpu.dma_semaphore, #tpu.memory_space<semaphore_mem>>
      %dma_start3A_138 = arith.constant 0 : i32
      %dma_start3A_139 = arith.constant 0 : i32
      %dma_start3A_140 = tpu.memref_slice %arg15[%dma_start3A_138, %dma_start3A_139] : memref<128x64xf32, #tpu.memory_space<vmem>> -> memref<128x64xf32, #tpu.memory_space<vmem>>
      %dma_start3A_141 = arith.constant 0 : i32
      %dma_start3A_142 = tpu.memref_slice %arg21[%add3A_8, %dma_start3A_141] : memref<10112x64xf32, #tpu.memory_space<vmem_shared>> -> memref<128x64xf32, #tpu.memory_space<vmem_shared>>
      %dma_start3A_143 = arith.constant 0 : i32
      %dma_start3A_144 = tpu.memref_slice %arg21[%add3A_8, %dma_start3A_143] : memref<10112x64xf32, #tpu.memory_space<vmem_shared>> -> memref<128x64xf32, #tpu.memory_space<vmem_shared>>
      %dma_start3A_145 = arith.constant 0 : i32
      %dma_start3A_146 = arith.constant 0 : i32
      %dma_start3A_147 = tpu.memref_slice %arg15[%dma_start3A_145, %dma_start3A_146] : memref<128x64xf32, #tpu.memory_space<vmem>> -> memref<128x64xf32, #tpu.memory_space<vmem>>
      tpu.enqueue_dma source(%dma_start3A_147 : memref<128x64xf32, #tpu.memory_space<vmem>>) target(%dma_start3A_144 : memref<128x64xf32, #tpu.memory_space<vmem_shared>>) target_semaphore(%run_scoped3A : memref<!tpu.dma_semaphore, #tpu.memory_space<semaphore_mem>>)
      %dma_wait3A_148 = arith.constant 0 : i32
      %dma_wait3A_149 = arith.constant 0 : i32
      %dma_wait3A_150 = tpu.memref_slice %arg15[%dma_wait3A_148, %dma_wait3A_149] : memref<128x64xf32, #tpu.memory_space<vmem>> -> memref<128x64xf32, #tpu.memory_space<vmem>>
      %dma_wait3A_151 = arith.constant 0 : i32
      %dma_wait3A_152 = tpu.memref_slice %arg21[%add3A_8, %dma_wait3A_151] : memref<10112x64xf32, #tpu.memory_space<vmem_shared>> -> memref<128x64xf32, #tpu.memory_space<vmem_shared>>
      %dma_wait3A_153 = arith.constant 0 : i32
      %dma_wait3A_154 = tpu.memref_slice %arg21[%add3A_8, %dma_wait3A_153] : memref<10112x64xf32, #tpu.memory_space<vmem_shared>> -> memref<128x64xf32, #tpu.memory_space<vmem_shared>>
      %dma_wait3A_155 = arith.constant 0 : i32
      %dma_wait3A_156 = arith.constant 0 : i32
      %dma_wait3A_157 = tpu.memref_slice %arg15[%dma_wait3A_155, %dma_wait3A_156] : memref<128x64xf32, #tpu.memory_space<vmem>> -> memref<128x64xf32, #tpu.memory_space<vmem>>
      tpu.wait_dma2 semaphore(%run_scoped3A : memref<!tpu.dma_semaphore, #tpu.memory_space<semaphore_mem>>) src(%dma_wait3A_157 : memref<128x64xf32, #tpu.memory_space<vmem>>) dst(%dma_wait3A_154 : memref<128x64xf32, #tpu.memory_space<vmem_shared>>)
      tpu.yield
    }) : () -> ()
    %add3A_9 = arith.constant 0 : i32
    %add3A_10 = arith.addi %mul3A_7, %add3A_9 : i32
    "tpu.region"() ({
      %run_scoped3A = tpu.sem_alloc : memref<!tpu.dma_semaphore, #tpu.memory_space<semaphore_mem>>
      %dma_start3A_138 = arith.constant 0 : i32
      %dma_start3A_139 = arith.constant 0 : i32
      %dma_start3A_140 = tpu.memref_slice %arg19[%dma_start3A_138, %dma_start3A_139] : memref<128x16xf32, #tpu.memory_space<vmem>> -> memref<128x16xf32, #tpu.memory_space<vmem>>
      %dma_start3A_141 = arith.constant 0 : i32
      %dma_start3A_142 = tpu.memref_slice %arg22[%add3A_10, %dma_start3A_141] : memref<10112x16xf32, #tpu.memory_space<vmem_shared>> -> memref<128x16xf32, #tpu.memory_space<vmem_shared>>
      %dma_start3A_143 = arith.constant 0 : i32
      %dma_start3A_144 = tpu.memref_slice %arg22[%add3A_10, %dma_start3A_143] : memref<10112x16xf32, #tpu.memory_space<vmem_shared>> -> memref<128x16xf32, #tpu.memory_space<vmem_shared>>
      %dma_start3A_145 = arith.constant 0 : i32
      %dma_start3A_146 = arith.constant 0 : i32
      %dma_start3A_147 = tpu.memref_slice %arg19[%dma_start3A_145, %dma_start3A_146] : memref<128x16xf32, #tpu.memory_space<vmem>> -> memref<128x16xf32, #tpu.memory_space<vmem>>
      tpu.enqueue_dma source(%dma_start3A_147 : memref<128x16xf32, #tpu.memory_space<vmem>>) target(%dma_start3A_144 : memref<128x16xf32, #tpu.memory_space<vmem_shared>>) target_semaphore(%run_scoped3A : memref<!tpu.dma_semaphore, #tpu.memory_space<semaphore_mem>>)
      %dma_wait3A_148 = arith.constant 0 : i32
      %dma_wait3A_149 = arith.constant 0 : i32
      %dma_wait3A_150 = tpu.memref_slice %arg19[%dma_wait3A_148, %dma_wait3A_149] : memref<128x16xf32, #tpu.memory_space<vmem>> -> memref<128x16xf32, #tpu.memory_space<vmem>>
      %dma_wait3A_151 = arith.constant 0 : i32
      %dma_wait3A_152 = tpu.memref_slice %arg22[%add3A_10, %dma_wait3A_151] : memref<10112x16xf32, #tpu.memory_space<vmem_shared>> -> memref<128x16xf32, #tpu.memory_space<vmem_shared>>
      %dma_wait3A_153 = arith.constant 0 : i32
      %dma_wait3A_154 = tpu.memref_slice %arg22[%add3A_10, %dma_wait3A_153] : memref<10112x16xf32, #tpu.memory_space<vmem_shared>> -> memref<128x16xf32, #tpu.memory_space<vmem_shared>>
      %dma_wait3A_155 = arith.constant 0 : i32
      %dma_wait3A_156 = arith.constant 0 : i32
      %dma_wait3A_157 = tpu.memref_slice %arg19[%dma_wait3A_155, %dma_wait3A_156] : memref<128x16xf32, #tpu.memory_space<vmem>> -> memref<128x16xf32, #tpu.memory_space<vmem>>
      tpu.wait_dma2 semaphore(%run_scoped3A : memref<!tpu.dma_semaphore, #tpu.memory_space<semaphore_mem>>) src(%dma_wait3A_157 : memref<128x16xf32, #tpu.memory_space<vmem>>) dst(%dma_wait3A_154 : memref<128x16xf32, #tpu.memory_space<vmem_shared>>)
      tpu.yield
    }) : () -> ()
    %add3A_11 = arith.constant 128 : i32
    %add3A_12 = arith.addi %mul3A_7, %add3A_11 : i32
    "tpu.region"() ({
      %run_scoped3A = tpu.sem_alloc : memref<!tpu.dma_semaphore, #tpu.memory_space<semaphore_mem>>
      %dma_start3A_138 = arith.constant 0 : i32
      %dma_start3A_139 = arith.constant 0 : i32
      %dma_start3A_140 = tpu.memref_slice %arg15[%dma_start3A_138, %dma_start3A_139] : memref<128x64xf32, #tpu.memory_space<vmem>> -> memref<128x64xf32, #tpu.memory_space<vmem>>
      %dma_start3A_141 = arith.constant 0 : i32
      %dma_start3A_142 = tpu.memref_slice %arg21[%add3A_12, %dma_start3A_141] : memref<10112x64xf32, #tpu.memory_space<vmem_shared>> -> memref<128x64xf32, #tpu.memory_space<vmem_shared>>
      %dma_start3A_143 = arith.constant 0 : i32
      %dma_start3A_144 = tpu.memref_slice %arg21[%add3A_12, %dma_start3A_143] : memref<10112x64xf32, #tpu.memory_space<vmem_shared>> -> memref<128x64xf32, #tpu.memory_space<vmem_shared>>
      %dma_start3A_145 = arith.constant 0 : i32
      %dma_start3A_146 = arith.constant 0 : i32
      %dma_start3A_147 = tpu.memref_slice %arg15[%dma_start3A_145, %dma_start3A_146] : memref<128x64xf32, #tpu.memory_space<vmem>> -> memref<128x64xf32, #tpu.memory_space<vmem>>
      tpu.enqueue_dma source(%dma_start3A_147 : memref<128x64xf32, #tpu.memory_space<vmem>>) target(%dma_start3A_144 : memref<128x64xf32, #tpu.memory_space<vmem_shared>>) target_semaphore(%run_scoped3A : memref<!tpu.dma_semaphore, #tpu.memory_space<semaphore_mem>>)
      %dma_wait3A_148 = arith.constant 0 : i32
      %dma_wait3A_149 = arith.constant 0 : i32
      %dma_wait3A_150 = tpu.memref_slice %arg15[%dma_wait3A_148, %dma_wait3A_149] : memref<128x64xf32, #tpu.memory_space<vmem>> -> memref<128x64xf32, #tpu.memory_space<vmem>>
      %dma_wait3A_151 = arith.constant 0 : i32
      %dma_wait3A_152 = tpu.memref_slice %arg21[%add3A_12, %dma_wait3A_151] : memref<10112x64xf32, #tpu.memory_space<vmem_shared>> -> memref<128x64xf32, #tpu.memory_space<vmem_shared>>
      %dma_wait3A_153 = arith.constant 0 : i32
      %dma_wait3A_154 = tpu.memref_slice %arg21[%add3A_12, %dma_wait3A_153] : memref<10112x64xf32, #tpu.memory_space<vmem_shared>> -> memref<128x64xf32, #tpu.memory_space<vmem_shared>>
      %dma_wait3A_155 = arith.constant 0 : i32
      %dma_wait3A_156 = arith.constant 0 : i32
      %dma_wait3A_157 = tpu.memref_slice %arg15[%dma_wait3A_155, %dma_wait3A_156] : memref<128x64xf32, #tpu.memory_space<vmem>> -> memref<128x64xf32, #tpu.memory_space<vmem>>
      tpu.wait_dma2 semaphore(%run_scoped3A : memref<!tpu.dma_semaphore, #tpu.memory_space<semaphore_mem>>) src(%dma_wait3A_157 : memref<128x64xf32, #tpu.memory_space<vmem>>) dst(%dma_wait3A_154 : memref<128x64xf32, #tpu.memory_space<vmem_shared>>)
      tpu.yield
    }) : () -> ()
    %add3A_13 = arith.constant 128 : i32
    %add3A_14 = arith.addi %mul3A_7, %add3A_13 : i32
    "tpu.region"() ({
      %run_scoped3A = tpu.sem_alloc : memref<!tpu.dma_semaphore, #tpu.memory_space<semaphore_mem>>
      %dma_start3A_138 = arith.constant 0 : i32
      %dma_start3A_139 = arith.constant 0 : i32
      %dma_start3A_140 = tpu.memref_slice %arg19[%dma_start3A_138, %dma_start3A_139] : memref<128x16xf32, #tpu.memory_space<vmem>> -> memref<128x16xf32, #tpu.memory_space<vmem>>
      %dma_start3A_141 = arith.constant 0 : i32
      %dma_start3A_142 = tpu.memref_slice %arg22[%add3A_14, %dma_start3A_141] : memref<10112x16xf32, #tpu.memory_space<vmem_shared>> -> memref<128x16xf32, #tpu.memory_space<vmem_shared>>
      %dma_start3A_143 = arith.constant 0 : i32
      %dma_start3A_144 = tpu.memref_slice %arg22[%add3A_14, %dma_start3A_143] : memref<10112x16xf32, #tpu.memory_space<vmem_shared>> -> memref<128x16xf32, #tpu.memory_space<vmem_shared>>
      %dma_start3A_145 = arith.constant 0 : i32
      %dma_start3A_146 = arith.constant 0 : i32
      %dma_start3A_147 = tpu.memref_slice %arg19[%dma_start3A_145, %dma_start3A_146] : memref<128x16xf32, #tpu.memory_space<vmem>> -> memref<128x16xf32, #tpu.memory_space<vmem>>
      tpu.enqueue_dma source(%dma_start3A_147 : memref<128x16xf32, #tpu.memory_space<vmem>>) target(%dma_start3A_144 : memref<128x16xf32, #tpu.memory_space<vmem_shared>>) target_semaphore(%run_scoped3A : memref<!tpu.dma_semaphore, #tpu.memory_space<semaphore_mem>>)
      %dma_wait3A_148 = arith.constant 0 : i32
      %dma_wait3A_149 = arith.constant 0 : i32
      %dma_wait3A_150 = tpu.memref_slice %arg19[%dma_wait3A_148, %dma_wait3A_149] : memref<128x16xf32, #tpu.memory_space<vmem>> -> memref<128x16xf32, #tpu.memory_space<vmem>>
      %dma_wait3A_151 = arith.constant 0 : i32
      %dma_wait3A_152 = tpu.memref_slice %arg22[%add3A_14, %dma_wait3A_151] : memref<10112x16xf32, #tpu.memory_space<vmem_shared>> -> memref<128x16xf32, #tpu.memory_space<vmem_shared>>
      %dma_wait3A_153 = arith.constant 0 : i32
      %dma_wait3A_154 = tpu.memref_slice %arg22[%add3A_14, %dma_wait3A_153] : memref<10112x16xf32, #tpu.memory_space<vmem_shared>> -> memref<128x16xf32, #tpu.memory_space<vmem_shared>>
      %dma_wait3A_155 = arith.constant 0 : i32
      %dma_wait3A_156 = arith.constant 0 : i32
      %dma_wait3A_157 = tpu.memref_slice %arg19[%dma_wait3A_155, %dma_wait3A_156] : memref<128x16xf32, #tpu.memory_space<vmem>> -> memref<128x16xf32, #tpu.memory_space<vmem>>
      tpu.wait_dma2 semaphore(%run_scoped3A : memref<!tpu.dma_semaphore, #tpu.memory_space<semaphore_mem>>) src(%dma_wait3A_157 : memref<128x16xf32, #tpu.memory_space<vmem>>) dst(%dma_wait3A_154 : memref<128x16xf32, #tpu.memory_space<vmem_shared>>)
      tpu.yield
    }) : () -> ()
    %add3A_15 = arith.constant 256 : i32
    %add3A_16 = arith.addi %mul3A_7, %add3A_15 : i32
    "tpu.region"() ({
      %run_scoped3A = tpu.sem_alloc : memref<!tpu.dma_semaphore, #tpu.memory_space<semaphore_mem>>
      %dma_start3A_138 = arith.constant 0 : i32
      %dma_start3A_139 = arith.constant 0 : i32
      %dma_start3A_140 = tpu.memref_slice %arg15[%dma_start3A_138, %dma_start3A_139] : memref<128x64xf32, #tpu.memory_space<vmem>> -> memref<128x64xf32, #tpu.memory_space<vmem>>
      %dma_start3A_141 = arith.constant 0 : i32
      %dma_start3A_142 = tpu.memref_slice %arg21[%add3A_16, %dma_start3A_141] : memref<10112x64xf32, #tpu.memory_space<vmem_shared>> -> memref<128x64xf32, #tpu.memory_space<vmem_shared>>
      %dma_start3A_143 = arith.constant 0 : i32
      %dma_start3A_144 = tpu.memref_slice %arg21[%add3A_16, %dma_start3A_143] : memref<10112x64xf32, #tpu.memory_space<vmem_shared>> -> memref<128x64xf32, #tpu.memory_space<vmem_shared>>
      %dma_start3A_145 = arith.constant 0 : i32
      %dma_start3A_146 = arith.constant 0 : i32
      %dma_start3A_147 = tpu.memref_slice %arg15[%dma_start3A_145, %dma_start3A_146] : memref<128x64xf32, #tpu.memory_space<vmem>> -> memref<128x64xf32, #tpu.memory_space<vmem>>
      tpu.enqueue_dma source(%dma_start3A_147 : memref<128x64xf32, #tpu.memory_space<vmem>>) target(%dma_start3A_144 : memref<128x64xf32, #tpu.memory_space<vmem_shared>>) target_semaphore(%run_scoped3A : memref<!tpu.dma_semaphore, #tpu.memory_space<semaphore_mem>>)
      %dma_wait3A_148 = arith.constant 0 : i32
      %dma_wait3A_149 = arith.constant 0 : i32
      %dma_wait3A_150 = tpu.memref_slice %arg15[%dma_wait3A_148, %dma_wait3A_149] : memref<128x64xf32, #tpu.memory_space<vmem>> -> memref<128x64xf32, #tpu.memory_space<vmem>>
      %dma_wait3A_151 = arith.constant 0 : i32
      %dma_wait3A_152 = tpu.memref_slice %arg21[%add3A_16, %dma_wait3A_151] : memref<10112x64xf32, #tpu.memory_space<vmem_shared>> -> memref<128x64xf32, #tpu.memory_space<vmem_shared>>
      %dma_wait3A_153 = arith.constant 0 : i32
      %dma_wait3A_154 = tpu.memref_slice %arg21[%add3A_16, %dma_wait3A_153] : memref<10112x64xf32, #tpu.memory_space<vmem_shared>> -> memref<128x64xf32, #tpu.memory_space<vmem_shared>>
      %dma_wait3A_155 = arith.constant 0 : i32
      %dma_wait3A_156 = arith.constant 0 : i32
      %dma_wait3A_157 = tpu.memref_slice %arg15[%dma_wait3A_155, %dma_wait3A_156] : memref<128x64xf32, #tpu.memory_space<vmem>> -> memref<128x64xf32, #tpu.memory_space<vmem>>
      tpu.wait_dma2 semaphore(%run_scoped3A : memref<!tpu.dma_semaphore, #tpu.memory_space<semaphore_mem>>) src(%dma_wait3A_157 : memref<128x64xf32, #tpu.memory_space<vmem>>) dst(%dma_wait3A_154 : memref<128x64xf32, #tpu.memory_space<vmem_shared>>)
      tpu.yield
    }) : () -> ()
    %add3A_17 = arith.constant 256 : i32
    %add3A_18 = arith.addi %mul3A_7, %add3A_17 : i32
    "tpu.region"() ({
      %run_scoped3A = tpu.sem_alloc : memref<!tpu.dma_semaphore, #tpu.memory_space<semaphore_mem>>
      %dma_start3A_138 = arith.constant 0 : i32
      %dma_start3A_139 = arith.constant 0 : i32
      %dma_start3A_140 = tpu.memref_slice %arg19[%dma_start3A_138, %dma_start3A_139] : memref<128x16xf32, #tpu.memory_space<vmem>> -> memref<128x16xf32, #tpu.memory_space<vmem>>
      %dma_start3A_141 = arith.constant 0 : i32
      %dma_start3A_142 = tpu.memref_slice %arg22[%add3A_18, %dma_start3A_141] : memref<10112x16xf32, #tpu.memory_space<vmem_shared>> -> memref<128x16xf32, #tpu.memory_space<vmem_shared>>
      %dma_start3A_143 = arith.constant 0 : i32
      %dma_start3A_144 = tpu.memref_slice %arg22[%add3A_18, %dma_start3A_143] : memref<10112x16xf32, #tpu.memory_space<vmem_shared>> -> memref<128x16xf32, #tpu.memory_space<vmem_shared>>
      %dma_start3A_145 = arith.constant 0 : i32
      %dma_start3A_146 = arith.constant 0 : i32
      %dma_start3A_147 = tpu.memref_slice %arg19[%dma_start3A_145, %dma_start3A_146] : memref<128x16xf32, #tpu.memory_space<vmem>> -> memref<128x16xf32, #tpu.memory_space<vmem>>
      tpu.enqueue_dma source(%dma_start3A_147 : memref<128x16xf32, #tpu.memory_space<vmem>>) target(%dma_start3A_144 : memref<128x16xf32, #tpu.memory_space<vmem_shared>>) target_semaphore(%run_scoped3A : memref<!tpu.dma_semaphore, #tpu.memory_space<semaphore_mem>>)
      %dma_wait3A_148 = arith.constant 0 : i32
      %dma_wait3A_149 = arith.constant 0 : i32
      %dma_wait3A_150 = tpu.memref_slice %arg19[%dma_wait3A_148, %dma_wait3A_149] : memref<128x16xf32, #tpu.memory_space<vmem>> -> memref<128x16xf32, #tpu.memory_space<vmem>>
      %dma_wait3A_151 = arith.constant 0 : i32
      %dma_wait3A_152 = tpu.memref_slice %arg22[%add3A_18, %dma_wait3A_151] : memref<10112x16xf32, #tpu.memory_space<vmem_shared>> -> memref<128x16xf32, #tpu.memory_space<vmem_shared>>
      %dma_wait3A_153 = arith.constant 0 : i32
      %dma_wait3A_154 = tpu.memref_slice %arg22[%add3A_18, %dma_wait3A_153] : memref<10112x16xf32, #tpu.memory_space<vmem_shared>> -> memref<128x16xf32, #tpu.memory_space<vmem_shared>>
      %dma_wait3A_155 = arith.constant 0 : i32
      %dma_wait3A_156 = arith.constant 0 : i32
      %dma_wait3A_157 = tpu.memref_slice %arg19[%dma_wait3A_155, %dma_wait3A_156] : memref<128x16xf32, #tpu.memory_space<vmem>> -> memref<128x16xf32, #tpu.memory_space<vmem>>
      tpu.wait_dma2 semaphore(%run_scoped3A : memref<!tpu.dma_semaphore, #tpu.memory_space<semaphore_mem>>) src(%dma_wait3A_157 : memref<128x16xf32, #tpu.memory_space<vmem>>) dst(%dma_wait3A_154 : memref<128x16xf32, #tpu.memory_space<vmem_shared>>)
      tpu.yield
    }) : () -> ()
    %add3A_19 = arith.constant 384 : i32
    %add3A_20 = arith.addi %mul3A_7, %add3A_19 : i32
    "tpu.region"() ({
      %run_scoped3A = tpu.sem_alloc : memref<!tpu.dma_semaphore, #tpu.memory_space<semaphore_mem>>
      %dma_start3A_138 = arith.constant 0 : i32
      %dma_start3A_139 = arith.constant 0 : i32
      %dma_start3A_140 = tpu.memref_slice %arg15[%dma_start3A_138, %dma_start3A_139] : memref<128x64xf32, #tpu.memory_space<vmem>> -> memref<128x64xf32, #tpu.memory_space<vmem>>
      %dma_start3A_141 = arith.constant 0 : i32
      %dma_start3A_142 = tpu.memref_slice %arg21[%add3A_20, %dma_start3A_141] : memref<10112x64xf32, #tpu.memory_space<vmem_shared>> -> memref<128x64xf32, #tpu.memory_space<vmem_shared>>
      %dma_start3A_143 = arith.constant 0 : i32
      %dma_start3A_144 = tpu.memref_slice %arg21[%add3A_20, %dma_start3A_143] : memref<10112x64xf32, #tpu.memory_space<vmem_shared>> -> memref<128x64xf32, #tpu.memory_space<vmem_shared>>
      %dma_start3A_145 = arith.constant 0 : i32
      %dma_start3A_146 = arith.constant 0 : i32
      %dma_start3A_147 = tpu.memref_slice %arg15[%dma_start3A_145, %dma_start3A_146] : memref<128x64xf32, #tpu.memory_space<vmem>> -> memref<128x64xf32, #tpu.memory_space<vmem>>
      tpu.enqueue_dma source(%dma_start3A_147 : memref<128x64xf32, #tpu.memory_space<vmem>>) target(%dma_start3A_144 : memref<128x64xf32, #tpu.memory_space<vmem_shared>>) target_semaphore(%run_scoped3A : memref<!tpu.dma_semaphore, #tpu.memory_space<semaphore_mem>>)
      %dma_wait3A_148 = arith.constant 0 : i32
      %dma_wait3A_149 = arith.constant 0 : i32
      %dma_wait3A_150 = tpu.memref_slice %arg15[%dma_wait3A_148, %dma_wait3A_149] : memref<128x64xf32, #tpu.memory_space<vmem>> -> memref<128x64xf32, #tpu.memory_space<vmem>>
      %dma_wait3A_151 = arith.constant 0 : i32
      %dma_wait3A_152 = tpu.memref_slice %arg21[%add3A_20, %dma_wait3A_151] : memref<10112x64xf32, #tpu.memory_space<vmem_shared>> -> memref<128x64xf32, #tpu.memory_space<vmem_shared>>
      %dma_wait3A_153 = arith.constant 0 : i32
      %dma_wait3A_154 = tpu.memref_slice %arg21[%add3A_20, %dma_wait3A_153] : memref<10112x64xf32, #tpu.memory_space<vmem_shared>> -> memref<128x64xf32, #tpu.memory_space<vmem_shared>>
      %dma_wait3A_155 = arith.constant 0 : i32
      %dma_wait3A_156 = arith.constant 0 : i32
      %dma_wait3A_157 = tpu.memref_slice %arg15[%dma_wait3A_155, %dma_wait3A_156] : memref<128x64xf32, #tpu.memory_space<vmem>> -> memref<128x64xf32, #tpu.memory_space<vmem>>
      tpu.wait_dma2 semaphore(%run_scoped3A : memref<!tpu.dma_semaphore, #tpu.memory_space<semaphore_mem>>) src(%dma_wait3A_157 : memref<128x64xf32, #tpu.memory_space<vmem>>) dst(%dma_wait3A_154 : memref<128x64xf32, #tpu.memory_space<vmem_shared>>)
      tpu.yield
    }) : () -> ()
    %add3A_21 = arith.constant 384 : i32
    %add3A_22 = arith.addi %mul3A_7, %add3A_21 : i32
    "tpu.region"() ({
      %run_scoped3A = tpu.sem_alloc : memref<!tpu.dma_semaphore, #tpu.memory_space<semaphore_mem>>
      %dma_start3A_138 = arith.constant 0 : i32
      %dma_start3A_139 = arith.constant 0 : i32
      %dma_start3A_140 = tpu.memref_slice %arg19[%dma_start3A_138, %dma_start3A_139] : memref<128x16xf32, #tpu.memory_space<vmem>> -> memref<128x16xf32, #tpu.memory_space<vmem>>
      %dma_start3A_141 = arith.constant 0 : i32
      %dma_start3A_142 = tpu.memref_slice %arg22[%add3A_22, %dma_start3A_141] : memref<10112x16xf32, #tpu.memory_space<vmem_shared>> -> memref<128x16xf32, #tpu.memory_space<vmem_shared>>
      %dma_start3A_143 = arith.constant 0 : i32
      %dma_start3A_144 = tpu.memref_slice %arg22[%add3A_22, %dma_start3A_143] : memref<10112x16xf32, #tpu.memory_space<vmem_shared>> -> memref<128x16xf32, #tpu.memory_space<vmem_shared>>
      %dma_start3A_145 = arith.constant 0 : i32
      %dma_start3A_146 = arith.constant 0 : i32
      %dma_start3A_147 = tpu.memref_slice %arg19[%dma_start3A_145, %dma_start3A_146] : memref<128x16xf32, #tpu.memory_space<vmem>> -> memref<128x16xf32, #tpu.memory_space<vmem>>
      tpu.enqueue_dma source(%dma_start3A_147 : memref<128x16xf32, #tpu.memory_space<vmem>>) target(%dma_start3A_144 : memref<128x16xf32, #tpu.memory_space<vmem_shared>>) target_semaphore(%run_scoped3A : memref<!tpu.dma_semaphore, #tpu.memory_space<semaphore_mem>>)
      %dma_wait3A_148 = arith.constant 0 : i32
      %dma_wait3A_149 = arith.constant 0 : i32
      %dma_wait3A_150 = tpu.memref_slice %arg19[%dma_wait3A_148, %dma_wait3A_149] : memref<128x16xf32, #tpu.memory_space<vmem>> -> memref<128x16xf32, #tpu.memory_space<vmem>>
      %dma_wait3A_151 = arith.constant 0 : i32
      %dma_wait3A_152 = tpu.memref_slice %arg22[%add3A_22, %dma_wait3A_151] : memref<10112x16xf32, #tpu.memory_space<vmem_shared>> -> memref<128x16xf32, #tpu.memory_space<vmem_shared>>
      %dma_wait3A_153 = arith.constant 0 : i32
      %dma_wait3A_154 = tpu.memref_slice %arg22[%add3A_22, %dma_wait3A_153] : memref<10112x16xf32, #tpu.memory_space<vmem_shared>> -> memref<128x16xf32, #tpu.memory_space<vmem_shared>>
      %dma_wait3A_155 = arith.constant 0 : i32
      %dma_wait3A_156 = arith.constant 0 : i32
      %dma_wait3A_157 = tpu.memref_slice %arg19[%dma_wait3A_155, %dma_wait3A_156] : memref<128x16xf32, #tpu.memory_space<vmem>> -> memref<128x16xf32, #tpu.memory_space<vmem>>
      tpu.wait_dma2 semaphore(%run_scoped3A : memref<!tpu.dma_semaphore, #tpu.memory_space<semaphore_mem>>) src(%dma_wait3A_157 : memref<128x16xf32, #tpu.memory_space<vmem>>) dst(%dma_wait3A_154 : memref<128x16xf32, #tpu.memory_space<vmem_shared>>)
      tpu.yield
    }) : () -> ()
    %add3A_23 = arith.constant 512 : i32
    %add3A_24 = arith.addi %mul3A_7, %add3A_23 : i32
    "tpu.region"() ({
      %run_scoped3A = tpu.sem_alloc : memref<!tpu.dma_semaphore, #tpu.memory_space<semaphore_mem>>
      %dma_start3A_138 = arith.constant 0 : i32
      %dma_start3A_139 = arith.constant 0 : i32
      %dma_start3A_140 = tpu.memref_slice %arg15[%dma_start3A_138, %dma_start3A_139] : memref<128x64xf32, #tpu.memory_space<vmem>> -> memref<120x64xf32, #tpu.memory_space<vmem>>
      %dma_start3A_141 = arith.constant 0 : i32
      %dma_start3A_142 = tpu.memref_slice %arg21[%add3A_24, %dma_start3A_141] : memref<10112x64xf32, #tpu.memory_space<vmem_shared>> -> memref<120x64xf32, #tpu.memory_space<vmem_shared>>
      %dma_start3A_143 = arith.constant 0 : i32
      %dma_start3A_144 = tpu.memref_slice %arg21[%add3A_24, %dma_start3A_143] : memref<10112x64xf32, #tpu.memory_space<vmem_shared>> -> memref<120x64xf32, #tpu.memory_space<vmem_shared>>
      %dma_start3A_145 = arith.constant 0 : i32
      %dma_start3A_146 = arith.constant 0 : i32
      %dma_start3A_147 = tpu.memref_slice %arg15[%dma_start3A_145, %dma_start3A_146] : memref<128x64xf32, #tpu.memory_space<vmem>> -> memref<120x64xf32, #tpu.memory_space<vmem>>
      tpu.enqueue_dma source(%dma_start3A_147 : memref<120x64xf32, #tpu.memory_space<vmem>>) target(%dma_start3A_144 : memref<120x64xf32, #tpu.memory_space<vmem_shared>>) target_semaphore(%run_scoped3A : memref<!tpu.dma_semaphore, #tpu.memory_space<semaphore_mem>>)
      %dma_wait3A_148 = arith.constant 0 : i32
      %dma_wait3A_149 = arith.constant 0 : i32
      %dma_wait3A_150 = tpu.memref_slice %arg15[%dma_wait3A_148, %dma_wait3A_149] : memref<128x64xf32, #tpu.memory_space<vmem>> -> memref<120x64xf32, #tpu.memory_space<vmem>>
      %dma_wait3A_151 = arith.constant 0 : i32
      %dma_wait3A_152 = tpu.memref_slice %arg21[%add3A_24, %dma_wait3A_151] : memref<10112x64xf32, #tpu.memory_space<vmem_shared>> -> memref<120x64xf32, #tpu.memory_space<vmem_shared>>
      %dma_wait3A_153 = arith.constant 0 : i32
      %dma_wait3A_154 = tpu.memref_slice %arg21[%add3A_24, %dma_wait3A_153] : memref<10112x64xf32, #tpu.memory_space<vmem_shared>> -> memref<120x64xf32, #tpu.memory_space<vmem_shared>>
      %dma_wait3A_155 = arith.constant 0 : i32
      %dma_wait3A_156 = arith.constant 0 : i32
      %dma_wait3A_157 = tpu.memref_slice %arg15[%dma_wait3A_155, %dma_wait3A_156] : memref<128x64xf32, #tpu.memory_space<vmem>> -> memref<120x64xf32, #tpu.memory_space<vmem>>
      tpu.wait_dma2 semaphore(%run_scoped3A : memref<!tpu.dma_semaphore, #tpu.memory_space<semaphore_mem>>) src(%dma_wait3A_157 : memref<120x64xf32, #tpu.memory_space<vmem>>) dst(%dma_wait3A_154 : memref<120x64xf32, #tpu.memory_space<vmem_shared>>)
      tpu.yield
    }) : () -> ()
    %add3A_25 = arith.constant 512 : i32
    %add3A_26 = arith.addi %mul3A_7, %add3A_25 : i32
    "tpu.region"() ({
      %run_scoped3A = tpu.sem_alloc : memref<!tpu.dma_semaphore, #tpu.memory_space<semaphore_mem>>
      %dma_start3A_138 = arith.constant 0 : i32
      %dma_start3A_139 = arith.constant 0 : i32
      %dma_start3A_140 = tpu.memref_slice %arg19[%dma_start3A_138, %dma_start3A_139] : memref<128x16xf32, #tpu.memory_space<vmem>> -> memref<120x16xf32, #tpu.memory_space<vmem>>
      %dma_start3A_141 = arith.constant 0 : i32
      %dma_start3A_142 = tpu.memref_slice %arg22[%add3A_26, %dma_start3A_141] : memref<10112x16xf32, #tpu.memory_space<vmem_shared>> -> memref<120x16xf32, #tpu.memory_space<vmem_shared>>
      %dma_start3A_143 = arith.constant 0 : i32
      %dma_start3A_144 = tpu.memref_slice %arg22[%add3A_26, %dma_start3A_143] : memref<10112x16xf32, #tpu.memory_space<vmem_shared>> -> memref<120x16xf32, #tpu.memory_space<vmem_shared>>
      %dma_start3A_145 = arith.constant 0 : i32
      %dma_start3A_146 = arith.constant 0 : i32
      %dma_start3A_147 = tpu.memref_slice %arg19[%dma_start3A_145, %dma_start3A_146] : memref<128x16xf32, #tpu.memory_space<vmem>> -> memref<120x16xf32, #tpu.memory_space<vmem>>
      tpu.enqueue_dma source(%dma_start3A_147 : memref<120x16xf32, #tpu.memory_space<vmem>>) target(%dma_start3A_144 : memref<120x16xf32, #tpu.memory_space<vmem_shared>>) target_semaphore(%run_scoped3A : memref<!tpu.dma_semaphore, #tpu.memory_space<semaphore_mem>>)
      %dma_wait3A_148 = arith.constant 0 : i32
      %dma_wait3A_149 = arith.constant 0 : i32
      %dma_wait3A_150 = tpu.memref_slice %arg19[%dma_wait3A_148, %dma_wait3A_149] : memref<128x16xf32, #tpu.memory_space<vmem>> -> memref<120x16xf32, #tpu.memory_space<vmem>>
      %dma_wait3A_151 = arith.constant 0 : i32
      %dma_wait3A_152 = tpu.memref_slice %arg22[%add3A_26, %dma_wait3A_151] : memref<10112x16xf32, #tpu.memory_space<vmem_shared>> -> memref<120x16xf32, #tpu.memory_space<vmem_shared>>
      %dma_wait3A_153 = arith.constant 0 : i32
      %dma_wait3A_154 = tpu.memref_slice %arg22[%add3A_26, %dma_wait3A_153] : memref<10112x16xf32, #tpu.memory_space<vmem_shared>> -> memref<120x16xf32, #tpu.memory_space<vmem_shared>>
      %dma_wait3A_155 = arith.constant 0 : i32
      %dma_wait3A_156 = arith.constant 0 : i32
      %dma_wait3A_157 = tpu.memref_slice %arg19[%dma_wait3A_155, %dma_wait3A_156] : memref<128x16xf32, #tpu.memory_space<vmem>> -> memref<120x16xf32, #tpu.memory_space<vmem>>
      tpu.wait_dma2 semaphore(%run_scoped3A : memref<!tpu.dma_semaphore, #tpu.memory_space<semaphore_mem>>) src(%dma_wait3A_157 : memref<120x16xf32, #tpu.memory_space<vmem>>) dst(%dma_wait3A_154 : memref<120x16xf32, #tpu.memory_space<vmem_shared>>)
      tpu.yield
    }) : () -> ()
    %iota3A = tpu.iota {dimensions = array<i32: 0>} : vector<16xi32>
    %eq3A = arith.constant 0 : i32
    %eq3A_27 = vector.broadcast %eq3A : i32 to vector<16xi32>
    %eq3A_28 = arith.cmpi eq, %iota3A, %eq3A_27 : vector<16xi32>
    %jit3A = arith.constant 1.000000e+00 : f32
    %jit3A_29 = arith.constant 0.000000e+00 : f32
    %broadcast_in_dim3A_30 = vector.broadcast %jit3A : f32 to vector<16xf32>
    %broadcast_in_dim3A_31 = vector.broadcast %jit3A_29 : f32 to vector<16xf32>
    %select_n3A = arith.select %eq3A_28, %broadcast_in_dim3A_30, %broadcast_in_dim3A_31 : vector<16xi1>, vector<16xf32>
    %scan3A_32 = arith.constant 0 : i32
    %scan3A_33 = arith.constant 0 : i32
    %scan3A_34 = arith.constant 128 : i32
    %scan3A_35 = arith.addi %scan3A_33, %scan3A_34 : i32
    %scan3A_36 = arith.constant 1 : i32
    %scan3A_37 = scf.for %scan3A_138 = %scan3A_33 to %scan3A_35 step %scan3A_36 iter_args(%scan3A_139 = %scan3A_32) -> (i32)  : i32 {
      %swap3A = arith.index_cast %scan3A_138 : i32 to index
      %swap3A_140 = arith.constant 0 : index
      %swap3A_141 = tpu.vector_load %arg19[%swap3A, %swap3A_140] {strides = array<i32>} : memref<128x16xf32, #tpu.memory_space<vmem>>, vector<1x16xf32>,
      %swap3A_142 = vector.shape_cast %swap3A_141 : vector<1x16xf32> to vector<16xf32>
      %swap3A_143 = vector.shape_cast %select_n3A : vector<16xf32> to vector<1x16xf32>
      tpu.vector_store %arg19[%swap3A, %swap3A_140], %swap3A_143 {strides = array<i32>} : memref<128x16xf32, #tpu.memory_space<vmem>>, vector<1x16xf32>,
      %scan3A_144 = arith.constant 0 : i32
      scf.yield %scan3A_144 : i32
    }
    %scan3A_38 = arith.constant 128 : i32
    %eq3A_39 = arith.constant 0 : i32
    %eq3A_40 = arith.cmpi eq, %arg1, %eq3A_39 : i32
    %convert_element_type3A = arith.extui %eq3A_40 : i1 to i32
    %cond3A = arith.constant 0 : i32
    %cond3A_41 = arith.cmpi ne, %convert_element_type3A, %cond3A : i32
    scf.if %cond3A_41 {
      %mul3A_138 = arith.constant 32 : i32
      %mul3A_139 = arith.muli %arg0, %mul3A_138 : i32
      "tpu.region"() ({
        %run_scoped3A = tpu.sem_alloc : memref<!tpu.dma_semaphore, #tpu.memory_space<semaphore_mem>>
        %dma_start3A_140 = arith.constant 0 : i32
        %dma_start3A_141 = tpu.memref_slice %arg6[%mul3A_139, %dma_start3A_140] : memref<64x64xf32, #tpu.memory_space<hbm>> -> memref<32x64xf32, #tpu.memory_space<hbm>>
        tpu.enqueue_dma source(%dma_start3A_141 : memref<32x64xf32, #tpu.memory_space<hbm>>) target(%arg20 : memref<32x64xf32, #tpu.memory_space<vmem_shared>>) target_semaphore(%run_scoped3A : memref<!tpu.dma_semaphore, #tpu.memory_space<semaphore_mem>>)
        %dma_wait3A_142 = arith.constant 0 : i32
        %dma_wait3A_143 = tpu.memref_slice %arg6[%mul3A_139, %dma_wait3A_142] : memref<64x64xf32, #tpu.memory_space<hbm>> -> memref<32x64xf32, #tpu.memory_space<hbm>>
        tpu.wait_dma2 semaphore(%run_scoped3A : memref<!tpu.dma_semaphore, #tpu.memory_space<semaphore_mem>>) src(%dma_wait3A_143 : memref<32x64xf32, #tpu.memory_space<hbm>>) dst(%arg20 : memref<32x64xf32, #tpu.memory_space<vmem_shared>>)
        tpu.yield
      }) : () -> ()
    } else {
    }
    %barrier3A = arith.constant 0 : index
    tpu.barrier barrier_id(%barrier3A)
    %mul3A_42 = arith.constant 20224 : i32
    %mul3A_43 = arith.muli %arg1, %mul3A_42 : i32
    %mul3A_44 = arith.constant 323584 : i32
    %mul3A_45 = arith.muli %arg0, %mul3A_44 : i32
    %add3A_46 = arith.constant 0 : i32
    %add3A_47 = arith.addi %mul3A_43, %add3A_46 : i32
    %add3A_48 = arith.addi %mul3A_45, %add3A_47 : i32
    %dma_start3A = tpu.memref_slice %arg4[%add3A_48] : memref<647168xi32, #tpu.memory_space<hbm>> -> memref<128xi32, #tpu.memory_space<hbm>>
    %dma_start3A_49 = tpu.memref_slice %arg4[%add3A_48] : memref<647168xi32, #tpu.memory_space<hbm>> -> memref<128xi32, #tpu.memory_space<hbm>>
    tpu.enqueue_dma source(%dma_start3A_49 : memref<128xi32, #tpu.memory_space<hbm>>) target(%arg9 : memref<128xi32, #tpu.memory_space<vmem>>) target_semaphore(%arg27 : memref<!tpu.dma_semaphore, #tpu.memory_space<semaphore_mem>>)
    %dma_start3A_50 = tpu.memref_slice %arg3[%add3A_47] : memref<323584xi32, #tpu.memory_space<hbm>> -> memref<128xi32, #tpu.memory_space<hbm>>
    %dma_start3A_51 = tpu.memref_slice %arg3[%add3A_47] : memref<323584xi32, #tpu.memory_space<hbm>> -> memref<128xi32, #tpu.memory_space<hbm>>
    tpu.enqueue_dma source(%dma_start3A_51 : memref<128xi32, #tpu.memory_space<hbm>>) target(%arg11 : memref<128xi32, #tpu.memory_space<vmem>>) target_semaphore(%arg27 : memref<!tpu.dma_semaphore, #tpu.memory_space<semaphore_mem>>)
    %dma_start3A_52 = tpu.memref_slice %arg5[%add3A_47] : memref<323584xi32, #tpu.memory_space<hbm>> -> memref<128xi32, #tpu.memory_space<hbm>>
    %dma_start3A_53 = tpu.memref_slice %arg5[%add3A_47] : memref<323584xi32, #tpu.memory_space<hbm>> -> memref<128xi32, #tpu.memory_space<hbm>>
    tpu.enqueue_dma source(%dma_start3A_53 : memref<128xi32, #tpu.memory_space<hbm>>) target(%arg13 : memref<128xi32, #tpu.memory_space<vmem>>) target_semaphore(%arg27 : memref<!tpu.dma_semaphore, #tpu.memory_space<semaphore_mem>>)
    %dma_wait3A = tpu.memref_slice %arg4[%add3A_48] : memref<647168xi32, #tpu.memory_space<hbm>> -> memref<128xi32, #tpu.memory_space<hbm>>
    %dma_wait3A_54 = tpu.memref_slice %arg4[%add3A_48] : memref<647168xi32, #tpu.memory_space<hbm>> -> memref<128xi32, #tpu.memory_space<hbm>>
    tpu.wait_dma2 semaphore(%arg27 : memref<!tpu.dma_semaphore, #tpu.memory_space<semaphore_mem>>) src(%dma_wait3A_54 : memref<128xi32, #tpu.memory_space<hbm>>) dst(%arg9 : memref<128xi32, #tpu.memory_space<vmem>>)
    %dma_wait3A_55 = tpu.memref_slice %arg3[%add3A_47] : memref<323584xi32, #tpu.memory_space<hbm>> -> memref<128xi32, #tpu.memory_space<hbm>>
    %dma_wait3A_56 = tpu.memref_slice %arg3[%add3A_47] : memref<323584xi32, #tpu.memory_space<hbm>> -> memref<128xi32, #tpu.memory_space<hbm>>
    tpu.wait_dma2 semaphore(%arg27 : memref<!tpu.dma_semaphore, #tpu.memory_space<semaphore_mem>>) src(%dma_wait3A_56 : memref<128xi32, #tpu.memory_space<hbm>>) dst(%arg11 : memref<128xi32, #tpu.memory_space<vmem>>)
    %dma_wait3A_57 = tpu.memref_slice %arg5[%add3A_47] : memref<323584xi32, #tpu.memory_space<hbm>> -> memref<128xi32, #tpu.memory_space<hbm>>
    %dma_wait3A_58 = tpu.memref_slice %arg5[%add3A_47] : memref<323584xi32, #tpu.memory_space<hbm>> -> memref<128xi32, #tpu.memory_space<hbm>>
    tpu.wait_dma2 semaphore(%arg27 : memref<!tpu.dma_semaphore, #tpu.memory_space<semaphore_mem>>) src(%dma_wait3A_58 : memref<128xi32, #tpu.memory_space<hbm>>) dst(%arg13 : memref<128xi32, #tpu.memory_space<vmem>>)
    %dma_start3A_59 = arith.constant 0 : i32
    %dma_start3A_60 = arith.constant 0 : i32
    %dma_start3A_61 = tpu.memref_slice %arg2[%dma_start3A_59, %dma_start3A_60] : memref<20000x64xf32, #tpu.memory_space<hbm>> -> memref<20000x64xf32, #tpu.memory_space<hbm>>
    tpu.enqueue_indirect_dma source(%dma_start3A_61 : memref<20000x64xf32, #tpu.memory_space<hbm>>) target(%arg15 : memref<128x64xf32, #tpu.memory_space<vmem>>) offsets(%arg9 : memref<128xi32, #tpu.memory_space<vmem>>) semaphore(%arg23 : memref<!tpu.dma_semaphore, #tpu.memory_space<semaphore_mem>>)
    %dma_start3A_62 = arith.constant 0 : i32
    %dma_start3A_63 = arith.constant 0 : i32
    %dma_start3A_64 = tpu.memref_slice %arg20[%dma_start3A_62, %dma_start3A_63] : memref<32x64xf32, #tpu.memory_space<vmem_shared>> -> memref<32x64xf32, #tpu.memory_space<vmem_shared>>
    tpu.enqueue_indirect_dma source(%dma_start3A_64 : memref<32x64xf32, #tpu.memory_space<vmem_shared>>) target(%arg17 : memref<128x64xf32, #tpu.memory_space<vmem>>) offsets(%arg13 : memref<128xi32, #tpu.memory_space<vmem>>) semaphore(%arg25 : memref<!tpu.dma_semaphore, #tpu.memory_space<semaphore_mem>>)
    %add3A_65 = arith.constant 128 : i32
    %add3A_66 = arith.addi %mul3A_43, %add3A_65 : i32
    %add3A_67 = arith.addi %mul3A_45, %add3A_66 : i32
    %dma_start3A_68 = tpu.memref_slice %arg4[%add3A_67] : memref<647168xi32, #tpu.memory_space<hbm>> -> memref<128xi32, #tpu.memory_space<hbm>>
    %dma_start3A_69 = tpu.memref_slice %arg4[%add3A_67] : memref<647168xi32, #tpu.memory_space<hbm>> -> memref<128xi32, #tpu.memory_space<hbm>>
    tpu.enqueue_dma source(%dma_start3A_69 : memref<128xi32, #tpu.memory_space<hbm>>) target(%arg10 : memref<128xi32, #tpu.memory_space<vmem>>) target_semaphore(%arg28 : memref<!tpu.dma_semaphore, #tpu.memory_space<semaphore_mem>>)
    %dma_start3A_70 = tpu.memref_slice %arg3[%add3A_66] : memref<323584xi32, #tpu.memory_space<hbm>> -> memref<128xi32, #tpu.memory_space<hbm>>
    %dma_start3A_71 = tpu.memref_slice %arg3[%add3A_66] : memref<323584xi32, #tpu.memory_space<hbm>> -> memref<128xi32, #tpu.memory_space<hbm>>
    tpu.enqueue_dma source(%dma_start3A_71 : memref<128xi32, #tpu.memory_space<hbm>>) target(%arg12 : memref<128xi32, #tpu.memory_space<vmem>>) target_semaphore(%arg28 : memref<!tpu.dma_semaphore, #tpu.memory_space<semaphore_mem>>)
    %dma_start3A_72 = tpu.memref_slice %arg5[%add3A_66] : memref<323584xi32, #tpu.memory_space<hbm>> -> memref<128xi32, #tpu.memory_space<hbm>>
    %dma_start3A_73 = tpu.memref_slice %arg5[%add3A_66] : memref<323584xi32, #tpu.memory_space<hbm>> -> memref<128xi32, #tpu.memory_space<hbm>>
    tpu.enqueue_dma source(%dma_start3A_73 : memref<128xi32, #tpu.memory_space<hbm>>) target(%arg14 : memref<128xi32, #tpu.memory_space<vmem>>) target_semaphore(%arg28 : memref<!tpu.dma_semaphore, #tpu.memory_space<semaphore_mem>>)
    %dma_wait3A_74 = tpu.memref_slice %arg4[%add3A_67] : memref<647168xi32, #tpu.memory_space<hbm>> -> memref<128xi32, #tpu.memory_space<hbm>>
    %dma_wait3A_75 = tpu.memref_slice %arg4[%add3A_67] : memref<647168xi32, #tpu.memory_space<hbm>> -> memref<128xi32, #tpu.memory_space<hbm>>
    tpu.wait_dma2 semaphore(%arg28 : memref<!tpu.dma_semaphore, #tpu.memory_space<semaphore_mem>>) src(%dma_wait3A_75 : memref<128xi32, #tpu.memory_space<hbm>>) dst(%arg10 : memref<128xi32, #tpu.memory_space<vmem>>)
    %dma_wait3A_76 = tpu.memref_slice %arg3[%add3A_66] : memref<323584xi32, #tpu.memory_space<hbm>> -> memref<128xi32, #tpu.memory_space<hbm>>
    %dma_wait3A_77 = tpu.memref_slice %arg3[%add3A_66] : memref<323584xi32, #tpu.memory_space<hbm>> -> memref<128xi32, #tpu.memory_space<hbm>>
    tpu.wait_dma2 semaphore(%arg28 : memref<!tpu.dma_semaphore, #tpu.memory_space<semaphore_mem>>) src(%dma_wait3A_77 : memref<128xi32, #tpu.memory_space<hbm>>) dst(%arg12 : memref<128xi32, #tpu.memory_space<vmem>>)
    %dma_wait3A_78 = tpu.memref_slice %arg5[%add3A_66] : memref<323584xi32, #tpu.memory_space<hbm>> -> memref<128xi32, #tpu.memory_space<hbm>>
    %dma_wait3A_79 = tpu.memref_slice %arg5[%add3A_66] : memref<323584xi32, #tpu.memory_space<hbm>> -> memref<128xi32, #tpu.memory_space<hbm>>
    tpu.wait_dma2 semaphore(%arg28 : memref<!tpu.dma_semaphore, #tpu.memory_space<semaphore_mem>>) src(%dma_wait3A_79 : memref<128xi32, #tpu.memory_space<hbm>>) dst(%arg14 : memref<128xi32, #tpu.memory_space<vmem>>)
    %dma_start3A_80 = arith.constant 0 : i32
    %dma_start3A_81 = arith.constant 0 : i32
    %dma_start3A_82 = tpu.memref_slice %arg2[%dma_start3A_80, %dma_start3A_81] : memref<20000x64xf32, #tpu.memory_space<hbm>> -> memref<20000x64xf32, #tpu.memory_space<hbm>>
    tpu.enqueue_indirect_dma source(%dma_start3A_82 : memref<20000x64xf32, #tpu.memory_space<hbm>>) target(%arg16 : memref<128x64xf32, #tpu.memory_space<vmem>>) offsets(%arg10 : memref<128xi32, #tpu.memory_space<vmem>>) semaphore(%arg24 : memref<!tpu.dma_semaphore, #tpu.memory_space<semaphore_mem>>)
    %dma_start3A_83 = arith.constant 0 : i32
    %dma_start3A_84 = arith.constant 0 : i32
    %dma_start3A_85 = tpu.memref_slice %arg20[%dma_start3A_83, %dma_start3A_84] : memref<32x64xf32, #tpu.memory_space<vmem_shared>> -> memref<32x64xf32, #tpu.memory_space<vmem_shared>>
    tpu.enqueue_indirect_dma source(%dma_start3A_85 : memref<32x64xf32, #tpu.memory_space<vmem_shared>>) target(%arg18 : memref<128x64xf32, #tpu.memory_space<vmem>>) offsets(%arg14 : memref<128xi32, #tpu.memory_space<vmem>>) semaphore(%arg26 : memref<!tpu.dma_semaphore, #tpu.memory_space<semaphore_mem>>)
    %scan3A_86 = arith.constant 0 : i32
    %scan3A_87 = arith.constant 0 : i32
    %scan3A_88 = arith.constant 79 : i32
    %scan3A_89 = arith.addi %scan3A_87, %scan3A_88 : i32
    %scan3A_90 = arith.constant 1 : i32
    %scan3A_91 = scf.for %scan3A_138 = %scan3A_87 to %scan3A_89 step %scan3A_90 iter_args(%scan3A_139 = %scan3A_86) -> (i32)  : i32 {
      %dma_wait3A_140 = arith.constant 0 : i32
      %dma_wait3A_141 = arith.constant 0 : i32
      %dma_wait3A_142 = tpu.memref_slice %arg2[%dma_wait3A_140, %dma_wait3A_141] : memref<20000x64xf32, #tpu.memory_space<hbm>> -> memref<20000x64xf32, #tpu.memory_space<hbm>>
      tpu.wait_indirect_dma semaphore(%arg23 : memref<!tpu.dma_semaphore, #tpu.memory_space<semaphore_mem>>) src(%dma_wait3A_142 : memref<20000x64xf32, #tpu.memory_space<hbm>>) dst(%arg15 : memref<128x64xf32, #tpu.memory_space<vmem>>)
      %dma_wait3A_143 = arith.constant 0 : i32
      %dma_wait3A_144 = arith.constant 0 : i32
      %dma_wait3A_145 = tpu.memref_slice %arg20[%dma_wait3A_143, %dma_wait3A_144] : memref<32x64xf32, #tpu.memory_space<vmem_shared>> -> memref<32x64xf32, #tpu.memory_space<vmem_shared>>
      tpu.wait_indirect_dma semaphore(%arg25 : memref<!tpu.dma_semaphore, #tpu.memory_space<semaphore_mem>>) src(%dma_wait3A_145 : memref<32x64xf32, #tpu.memory_space<vmem_shared>>) dst(%arg17 : memref<128x64xf32, #tpu.memory_space<vmem>>)
      %scan3A_146 = arith.constant 0 : i32
      %scan3A_147 = arith.constant 0 : i32
      %scan3A_148 = arith.constant 128 : i32
      %scan3A_149 = arith.addi %scan3A_147, %scan3A_148 : i32
      %scan3A_150 = arith.constant 1 : i32
      %scan3A_151 = scf.for %scan3A_189 = %scan3A_147 to %scan3A_149 step %scan3A_150 iter_args(%scan3A_190 = %scan3A_146) -> (i32)  : i32 {
        %get3A = arith.index_cast %scan3A_189 : i32 to index
        %get3A_191 = arith.constant 0 : index
        %get3A_192 = tpu.vector_load %arg17[%get3A, %get3A_191] {strides = array<i32>} : memref<128x64xf32, #tpu.memory_space<vmem>>, vector<1x16xf32>,
        %get3A_193 = vector.shape_cast %get3A_192 : vector<1x16xf32> to vector<16xf32>
        %get3A_194 = arith.index_cast %scan3A_189 : i32 to index
        %get3A_195 = arith.constant 0 : index
        %get3A_196 = tpu.vector_load %arg15[%get3A_194, %get3A_195] {strides = array<i32>} : memref<128x64xf32, #tpu.memory_space<vmem>>, vector<1x16xf32>,
        %get3A_197 = vector.shape_cast %get3A_196 : vector<1x16xf32> to vector<16xf32>
        %mul3A_198 = arith.mulf %get3A_193, %get3A_197 : vector<16xf32>
        %swap3A = arith.index_cast %scan3A_189 : i32 to index
        %swap3A_199 = arith.constant 0 : index
        %swap3A_200 = tpu.vector_load %arg17[%swap3A, %swap3A_199] {strides = array<i32>} : memref<128x64xf32, #tpu.memory_space<vmem>>, vector<1x16xf32>,
        %swap3A_201 = vector.shape_cast %swap3A_200 : vector<1x16xf32> to vector<16xf32>
        %swap3A_202 = vector.shape_cast %mul3A_198 : vector<16xf32> to vector<1x16xf32>
        tpu.vector_store %arg17[%swap3A, %swap3A_199], %swap3A_202 {strides = array<i32>} : memref<128x64xf32, #tpu.memory_space<vmem>>, vector<1x16xf32>,
        %get3A_203 = arith.index_cast %scan3A_189 : i32 to index
        %get3A_204 = arith.constant 16 : index
        %get3A_205 = tpu.vector_load %arg17[%get3A_203, %get3A_204] {strides = array<i32>} : memref<128x64xf32, #tpu.memory_space<vmem>>, vector<1x16xf32>,
        %get3A_206 = vector.shape_cast %get3A_205 : vector<1x16xf32> to vector<16xf32>
        %get3A_207 = arith.index_cast %scan3A_189 : i32 to index
        %get3A_208 = arith.constant 16 : index
        %get3A_209 = tpu.vector_load %arg15[%get3A_207, %get3A_208] {strides = array<i32>} : memref<128x64xf32, #tpu.memory_space<vmem>>, vector<1x16xf32>,
        %get3A_210 = vector.shape_cast %get3A_209 : vector<1x16xf32> to vector<16xf32>
        %mul3A_211 = arith.mulf %get3A_206, %get3A_210 : vector<16xf32>
        %swap3A_212 = arith.index_cast %scan3A_189 : i32 to index
        %swap3A_213 = arith.constant 16 : index
        %swap3A_214 = tpu.vector_load %arg17[%swap3A_212, %swap3A_213] {strides = array<i32>} : memref<128x64xf32, #tpu.memory_space<vmem>>, vector<1x16xf32>,
        %swap3A_215 = vector.shape_cast %swap3A_214 : vector<1x16xf32> to vector<16xf32>
        %swap3A_216 = vector.shape_cast %mul3A_211 : vector<16xf32> to vector<1x16xf32>
        tpu.vector_store %arg17[%swap3A_212, %swap3A_213], %swap3A_216 {strides = array<i32>} : memref<128x64xf32, #tpu.memory_space<vmem>>, vector<1x16xf32>,
        %get3A_217 = arith.index_cast %scan3A_189 : i32 to index
        %get3A_218 = arith.constant 32 : index
        %get3A_219 = tpu.vector_load %arg17[%get3A_217, %get3A_218] {strides = array<i32>} : memref<128x64xf32, #tpu.memory_space<vmem>>, vector<1x16xf32>,
        %get3A_220 = vector.shape_cast %get3A_219 : vector<1x16xf32> to vector<16xf32>
        %get3A_221 = arith.index_cast %scan3A_189 : i32 to index
        %get3A_222 = arith.constant 32 : index
        %get3A_223 = tpu.vector_load %arg15[%get3A_221, %get3A_222] {strides = array<i32>} : memref<128x64xf32, #tpu.memory_space<vmem>>, vector<1x16xf32>,
        %get3A_224 = vector.shape_cast %get3A_223 : vector<1x16xf32> to vector<16xf32>
        %mul3A_225 = arith.mulf %get3A_220, %get3A_224 : vector<16xf32>
        %swap3A_226 = arith.index_cast %scan3A_189 : i32 to index
        %swap3A_227 = arith.constant 32 : index
        %swap3A_228 = tpu.vector_load %arg17[%swap3A_226, %swap3A_227] {strides = array<i32>} : memref<128x64xf32, #tpu.memory_space<vmem>>, vector<1x16xf32>,
        %swap3A_229 = vector.shape_cast %swap3A_228 : vector<1x16xf32> to vector<16xf32>
        %swap3A_230 = vector.shape_cast %mul3A_225 : vector<16xf32> to vector<1x16xf32>
        tpu.vector_store %arg17[%swap3A_226, %swap3A_227], %swap3A_230 {strides = array<i32>} : memref<128x64xf32, #tpu.memory_space<vmem>>, vector<1x16xf32>,
        %get3A_231 = arith.index_cast %scan3A_189 : i32 to index
        %get3A_232 = arith.constant 48 : index
        %get3A_233 = tpu.vector_load %arg17[%get3A_231, %get3A_232] {strides = array<i32>} : memref<128x64xf32, #tpu.memory_space<vmem>>, vector<1x16xf32>,
        %get3A_234 = vector.shape_cast %get3A_233 : vector<1x16xf32> to vector<16xf32>
        %get3A_235 = arith.index_cast %scan3A_189 : i32 to index
        %get3A_236 = arith.constant 48 : index
        %get3A_237 = tpu.vector_load %arg15[%get3A_235, %get3A_236] {strides = array<i32>} : memref<128x64xf32, #tpu.memory_space<vmem>>, vector<1x16xf32>,
        %get3A_238 = vector.shape_cast %get3A_237 : vector<1x16xf32> to vector<16xf32>
        %mul3A_239 = arith.mulf %get3A_234, %get3A_238 : vector<16xf32>
        %swap3A_240 = arith.index_cast %scan3A_189 : i32 to index
        %swap3A_241 = arith.constant 48 : index
        %swap3A_242 = tpu.vector_load %arg17[%swap3A_240, %swap3A_241] {strides = array<i32>} : memref<128x64xf32, #tpu.memory_space<vmem>>, vector<1x16xf32>,
        %swap3A_243 = vector.shape_cast %swap3A_242 : vector<1x16xf32> to vector<16xf32>
        %swap3A_244 = vector.shape_cast %mul3A_239 : vector<16xf32> to vector<1x16xf32>
        tpu.vector_store %arg17[%swap3A_240, %swap3A_241], %swap3A_244 {strides = array<i32>} : memref<128x64xf32, #tpu.memory_space<vmem>>, vector<1x16xf32>,
        %scan3A_245 = arith.constant 0 : i32
        scf.yield %scan3A_245 : i32
      }
      %scan3A_152 = arith.constant 128 : i32
      %dma_start3A_153 = arith.constant 0 : i32
      %dma_start3A_154 = arith.constant 0 : i32
      %dma_start3A_155 = tpu.memref_slice %arg21[%dma_start3A_153, %dma_start3A_154] : memref<10112x64xf32, #tpu.memory_space<vmem_shared>> -> memref<10112x64xf32, #tpu.memory_space<vmem_shared>>
      tpu.enqueue_indirect_dma source(%arg17 : memref<128x64xf32, #tpu.memory_space<vmem>>) target(%dma_start3A_155 : memref<10112x64xf32, #tpu.memory_space<vmem_shared>>) offsets(%arg11 : memref<128xi32, #tpu.memory_space<vmem>>) semaphore(%arg29 : memref<!tpu.dma_semaphore, #tpu.memory_space<semaphore_mem>>) {add = true}
      %eq3A_156 = arith.constant 0 : i32
      %eq3A_157 = arith.cmpi eq, %arg0, %eq3A_156 : i32
      %convert_element_type3A_158 = arith.extui %eq3A_157 : i1 to i32
      %cond3A_159 = arith.constant 0 : i32
      %cond3A_160 = arith.cmpi ne, %convert_element_type3A_158, %cond3A_159 : i32
      scf.if %cond3A_160 {
        %dma_start3A_189 = arith.constant 0 : i32
        %dma_start3A_190 = arith.constant 0 : i32
        %dma_start3A_191 = tpu.memref_slice %arg22[%dma_start3A_189, %dma_start3A_190] : memref<10112x16xf32, #tpu.memory_space<vmem_shared>> -> memref<10112x16xf32, #tpu.memory_space<vmem_shared>>
        tpu.enqueue_indirect_dma source(%arg19 : memref<128x16xf32, #tpu.memory_space<vmem>>) target(%dma_start3A_191 : memref<10112x16xf32, #tpu.memory_space<vmem_shared>>) offsets(%arg11 : memref<128xi32, #tpu.memory_space<vmem>>) semaphore(%arg29 : memref<!tpu.dma_semaphore, #tpu.memory_space<semaphore_mem>>) {add = true}
      } else {
      }
      %dma_wait3A_161 = arith.constant 0 : i32
      %dma_wait3A_162 = arith.constant 0 : i32
      %dma_wait3A_163 = tpu.memref_slice %arg2[%dma_wait3A_161, %dma_wait3A_162] : memref<20000x64xf32, #tpu.memory_space<hbm>> -> memref<20000x64xf32, #tpu.memory_space<hbm>>
      tpu.wait_indirect_dma semaphore(%arg24 : memref<!tpu.dma_semaphore, #tpu.memory_space<semaphore_mem>>) src(%dma_wait3A_163 : memref<20000x64xf32, #tpu.memory_space<hbm>>) dst(%arg16 : memref<128x64xf32, #tpu.memory_space<vmem>>)
      %dma_wait3A_164 = arith.constant 0 : i32
      %dma_wait3A_165 = arith.constant 0 : i32
      %dma_wait3A_166 = tpu.memref_slice %arg20[%dma_wait3A_164, %dma_wait3A_165] : memref<32x64xf32, #tpu.memory_space<vmem_shared>> -> memref<32x64xf32, #tpu.memory_space<vmem_shared>>
      tpu.wait_indirect_dma semaphore(%arg26 : memref<!tpu.dma_semaphore, #tpu.memory_space<semaphore_mem>>) src(%dma_wait3A_166 : memref<32x64xf32, #tpu.memory_space<vmem_shared>>) dst(%arg18 : memref<128x64xf32, #tpu.memory_space<vmem>>)
      %scan3A_167 = arith.constant 0 : i32
      %scan3A_168 = arith.constant 0 : i32
      %scan3A_169 = arith.constant 128 : i32
      %scan3A_170 = arith.addi %scan3A_168, %scan3A_169 : i32
      %scan3A_171 = arith.constant 1 : i32
      %scan3A_172 = scf.for %scan3A_189 = %scan3A_168 to %scan3A_170 step %scan3A_171 iter_args(%scan3A_190 = %scan3A_167) -> (i32)  : i32 {
        %get3A = arith.index_cast %scan3A_189 : i32 to index
        %get3A_191 = arith.constant 0 : index
        %get3A_192 = tpu.vector_load %arg18[%get3A, %get3A_191] {strides = array<i32>} : memref<128x64xf32, #tpu.memory_space<vmem>>, vector<1x16xf32>,
        %get3A_193 = vector.shape_cast %get3A_192 : vector<1x16xf32> to vector<16xf32>
        %get3A_194 = arith.index_cast %scan3A_189 : i32 to index
        %get3A_195 = arith.constant 0 : index
        %get3A_196 = tpu.vector_load %arg16[%get3A_194, %get3A_195] {strides = array<i32>} : memref<128x64xf32, #tpu.memory_space<vmem>>, vector<1x16xf32>,
        %get3A_197 = vector.shape_cast %get3A_196 : vector<1x16xf32> to vector<16xf32>
        %mul3A_198 = arith.mulf %get3A_193, %get3A_197 : vector<16xf32>
        %swap3A = arith.index_cast %scan3A_189 : i32 to index
        %swap3A_199 = arith.constant 0 : index
        %swap3A_200 = tpu.vector_load %arg18[%swap3A, %swap3A_199] {strides = array<i32>} : memref<128x64xf32, #tpu.memory_space<vmem>>, vector<1x16xf32>,
        %swap3A_201 = vector.shape_cast %swap3A_200 : vector<1x16xf32> to vector<16xf32>
        %swap3A_202 = vector.shape_cast %mul3A_198 : vector<16xf32> to vector<1x16xf32>
        tpu.vector_store %arg18[%swap3A, %swap3A_199], %swap3A_202 {strides = array<i32>} : memref<128x64xf32, #tpu.memory_space<vmem>>, vector<1x16xf32>,
        %get3A_203 = arith.index_cast %scan3A_189 : i32 to index
        %get3A_204 = arith.constant 16 : index
        %get3A_205 = tpu.vector_load %arg18[%get3A_203, %get3A_204] {strides = array<i32>} : memref<128x64xf32, #tpu.memory_space<vmem>>, vector<1x16xf32>,
        %get3A_206 = vector.shape_cast %get3A_205 : vector<1x16xf32> to vector<16xf32>
        %get3A_207 = arith.index_cast %scan3A_189 : i32 to index
        %get3A_208 = arith.constant 16 : index
        %get3A_209 = tpu.vector_load %arg16[%get3A_207, %get3A_208] {strides = array<i32>} : memref<128x64xf32, #tpu.memory_space<vmem>>, vector<1x16xf32>,
        %get3A_210 = vector.shape_cast %get3A_209 : vector<1x16xf32> to vector<16xf32>
        %mul3A_211 = arith.mulf %get3A_206, %get3A_210 : vector<16xf32>
        %swap3A_212 = arith.index_cast %scan3A_189 : i32 to index
        %swap3A_213 = arith.constant 16 : index
        %swap3A_214 = tpu.vector_load %arg18[%swap3A_212, %swap3A_213] {strides = array<i32>} : memref<128x64xf32, #tpu.memory_space<vmem>>, vector<1x16xf32>,
        %swap3A_215 = vector.shape_cast %swap3A_214 : vector<1x16xf32> to vector<16xf32>
        %swap3A_216 = vector.shape_cast %mul3A_211 : vector<16xf32> to vector<1x16xf32>
        tpu.vector_store %arg18[%swap3A_212, %swap3A_213], %swap3A_216 {strides = array<i32>} : memref<128x64xf32, #tpu.memory_space<vmem>>, vector<1x16xf32>,
        %get3A_217 = arith.index_cast %scan3A_189 : i32 to index
        %get3A_218 = arith.constant 32 : index
        %get3A_219 = tpu.vector_load %arg18[%get3A_217, %get3A_218] {strides = array<i32>} : memref<128x64xf32, #tpu.memory_space<vmem>>, vector<1x16xf32>,
        %get3A_220 = vector.shape_cast %get3A_219 : vector<1x16xf32> to vector<16xf32>
        %get3A_221 = arith.index_cast %scan3A_189 : i32 to index
        %get3A_222 = arith.constant 32 : index
        %get3A_223 = tpu.vector_load %arg16[%get3A_221, %get3A_222] {strides = array<i32>} : memref<128x64xf32, #tpu.memory_space<vmem>>, vector<1x16xf32>,
        %get3A_224 = vector.shape_cast %get3A_223 : vector<1x16xf32> to vector<16xf32>
        %mul3A_225 = arith.mulf %get3A_220, %get3A_224 : vector<16xf32>
        %swap3A_226 = arith.index_cast %scan3A_189 : i32 to index
        %swap3A_227 = arith.constant 32 : index
        %swap3A_228 = tpu.vector_load %arg18[%swap3A_226, %swap3A_227] {strides = array<i32>} : memref<128x64xf32, #tpu.memory_space<vmem>>, vector<1x16xf32>,
        %swap3A_229 = vector.shape_cast %swap3A_228 : vector<1x16xf32> to vector<16xf32>
        %swap3A_230 = vector.shape_cast %mul3A_225 : vector<16xf32> to vector<1x16xf32>
        tpu.vector_store %arg18[%swap3A_226, %swap3A_227], %swap3A_230 {strides = array<i32>} : memref<128x64xf32, #tpu.memory_space<vmem>>, vector<1x16xf32>,
        %get3A_231 = arith.index_cast %scan3A_189 : i32 to index
        %get3A_232 = arith.constant 48 : index
        %get3A_233 = tpu.vector_load %arg18[%get3A_231, %get3A_232] {strides = array<i32>} : memref<128x64xf32, #tpu.memory_space<vmem>>, vector<1x16xf32>,
        %get3A_234 = vector.shape_cast %get3A_233 : vector<1x16xf32> to vector<16xf32>
        %get3A_235 = arith.index_cast %scan3A_189 : i32 to index
        %get3A_236 = arith.constant 48 : index
        %get3A_237 = tpu.vector_load %arg16[%get3A_235, %get3A_236] {strides = array<i32>} : memref<128x64xf32, #tpu.memory_space<vmem>>, vector<1x16xf32>,
        %get3A_238 = vector.shape_cast %get3A_237 : vector<1x16xf32> to vector<16xf32>
        %mul3A_239 = arith.mulf %get3A_234, %get3A_238 : vector<16xf32>
        %swap3A_240 = arith.index_cast %scan3A_189 : i32 to index
        %swap3A_241 = arith.constant 48 : index
        %swap3A_242 = tpu.vector_load %arg18[%swap3A_240, %swap3A_241] {strides = array<i32>} : memref<128x64xf32, #tpu.memory_space<vmem>>, vector<1x16xf32>,
        %swap3A_243 = vector.shape_cast %swap3A_242 : vector<1x16xf32> to vector<16xf32>
        %swap3A_244 = vector.shape_cast %mul3A_239 : vector<16xf32> to vector<1x16xf32>
        tpu.vector_store %arg18[%swap3A_240, %swap3A_241], %swap3A_244 {strides = array<i32>} : memref<128x64xf32, #tpu.memory_space<vmem>>, vector<1x16xf32>,
        %scan3A_245 = arith.constant 0 : i32
        scf.yield %scan3A_245 : i32
      }
      %scan3A_173 = arith.constant 128 : i32
      %dma_start3A_174 = arith.constant 0 : i32
      %dma_start3A_175 = arith.constant 0 : i32
      %dma_start3A_176 = tpu.memref_slice %arg21[%dma_start3A_174, %dma_start3A_175] : memref<10112x64xf32, #tpu.memory_space<vmem_shared>> -> memref<10112x64xf32, #tpu.memory_space<vmem_shared>>
      tpu.enqueue_indirect_dma source(%arg18 : memref<128x64xf32, #tpu.memory_space<vmem>>) target(%dma_start3A_176 : memref<10112x64xf32, #tpu.memory_space<vmem_shared>>) offsets(%arg12 : memref<128xi32, #tpu.memory_space<vmem>>) semaphore(%arg30 : memref<!tpu.dma_semaphore, #tpu.memory_space<semaphore_mem>>) {add = true}
      %eq3A_177 = arith.constant 0 : i32
      %eq3A_178 = arith.cmpi eq, %arg0, %eq3A_177 : i32
      %convert_element_type3A_179 = arith.extui %eq3A_178 : i1 to i32
      %cond3A_180 = arith.constant 0 : i32
      %cond3A_181 = arith.cmpi ne, %convert_element_type3A_179, %cond3A_180 : i32
      scf.if %cond3A_181 {
        %dma_start3A_189 = arith.constant 0 : i32
        %dma_start3A_190 = arith.constant 0 : i32
        %dma_start3A_191 = tpu.memref_slice %arg22[%dma_start3A_189, %dma_start3A_190] : memref<10112x16xf32, #tpu.memory_space<vmem_shared>> -> memref<10112x16xf32, #tpu.memory_space<vmem_shared>>
        tpu.enqueue_indirect_dma source(%arg19 : memref<128x16xf32, #tpu.memory_space<vmem>>) target(%dma_start3A_191 : memref<10112x16xf32, #tpu.memory_space<vmem_shared>>) offsets(%arg12 : memref<128xi32, #tpu.memory_space<vmem>>) semaphore(%arg30 : memref<!tpu.dma_semaphore, #tpu.memory_space<semaphore_mem>>) {add = true}
      } else {
      }
      %add3A_182 = arith.constant 1 : i32
      %add3A_183 = arith.addi %scan3A_138, %add3A_182 : i32
      %lt3A = arith.constant 79 : i32
      %lt3A_184 = arith.cmpi slt, %add3A_183, %lt3A : i32
      %convert_element_type3A_185 = arith.extui %lt3A_184 : i1 to i32
      %cond3A_186 = arith.constant 0 : i32
      %cond3A_187 = arith.cmpi ne, %convert_element_type3A_185, %cond3A_186 : i32
      scf.if %cond3A_187 {
        %dma_wait3A_189 = arith.constant 0 : i32
        %dma_wait3A_190 = arith.constant 0 : i32
        %dma_wait3A_191 = tpu.memref_slice %arg21[%dma_wait3A_189, %dma_wait3A_190] : memref<10112x64xf32, #tpu.memory_space<vmem_shared>> -> memref<10112x64xf32, #tpu.memory_space<vmem_shared>>
        tpu.wait_indirect_dma semaphore(%arg29 : memref<!tpu.dma_semaphore, #tpu.memory_space<semaphore_mem>>) src(%arg17 : memref<128x64xf32, #tpu.memory_space<vmem>>) dst(%dma_wait3A_191 : memref<10112x64xf32, #tpu.memory_space<vmem_shared>>)
        %eq3A_192 = arith.constant 0 : i32
        %eq3A_193 = arith.cmpi eq, %arg0, %eq3A_192 : i32
        %convert_element_type3A_194 = arith.extui %eq3A_193 : i1 to i32
        %cond3A_195 = arith.constant 0 : i32
        %cond3A_196 = arith.cmpi ne, %convert_element_type3A_194, %cond3A_195 : i32
        scf.if %cond3A_196 {
          %dma_wait3A_261 = arith.constant 0 : i32
          %dma_wait3A_262 = arith.constant 0 : i32
          %dma_wait3A_263 = tpu.memref_slice %arg22[%dma_wait3A_261, %dma_wait3A_262] : memref<10112x16xf32, #tpu.memory_space<vmem_shared>> -> memref<10112x16xf32, #tpu.memory_space<vmem_shared>>
          tpu.wait_indirect_dma semaphore(%arg29 : memref<!tpu.dma_semaphore, #tpu.memory_space<semaphore_mem>>) src(%arg19 : memref<128x16xf32, #tpu.memory_space<vmem>>) dst(%dma_wait3A_263 : memref<10112x16xf32, #tpu.memory_space<vmem_shared>>)
        } else {
        }
        %add3A_197 = arith.constant 1 : i32
        %add3A_198 = arith.addi %scan3A_138, %add3A_197 : i32
        %mul3A_199 = arith.constant 2 : i32
        %mul3A_200 = arith.muli %mul3A_199, %add3A_198 : i32
        %add3A_201 = arith.constant 0 : i32
        %add3A_202 = arith.addi %mul3A_200, %add3A_201 : i32
        %mul3A_203 = arith.constant 128 : i32
        %mul3A_204 = arith.muli %add3A_202, %mul3A_203 : i32
        %add3A_205 = arith.addi %mul3A_43, %mul3A_204 : i32
        %add3A_206 = arith.addi %mul3A_45, %add3A_205 : i32
        %dma_start3A_207 = tpu.memref_slice %arg4[%add3A_206] : memref<647168xi32, #tpu.memory_space<hbm>> -> memref<128xi32, #tpu.memory_space<hbm>>
        %dma_start3A_208 = tpu.memref_slice %arg4[%add3A_206] : memref<647168xi32, #tpu.memory_space<hbm>> -> memref<128xi32, #tpu.memory_space<hbm>>
        tpu.enqueue_dma source(%dma_start3A_208 : memref<128xi32, #tpu.memory_space<hbm>>) target(%arg9 : memref<128xi32, #tpu.memory_space<vmem>>) target_semaphore(%arg27 : memref<!tpu.dma_semaphore, #tpu.memory_space<semaphore_mem>>)
        %dma_start3A_209 = tpu.memref_slice %arg3[%add3A_205] : memref<323584xi32, #tpu.memory_space<hbm>> -> memref<128xi32, #tpu.memory_space<hbm>>
        %dma_start3A_210 = tpu.memref_slice %arg3[%add3A_205] : memref<323584xi32, #tpu.memory_space<hbm>> -> memref<128xi32, #tpu.memory_space<hbm>>
        tpu.enqueue_dma source(%dma_start3A_210 : memref<128xi32, #tpu.memory_space<hbm>>) target(%arg11 : memref<128xi32, #tpu.memory_space<vmem>>) target_semaphore(%arg27 : memref<!tpu.dma_semaphore, #tpu.memory_space<semaphore_mem>>)
        %dma_start3A_211 = tpu.memref_slice %arg5[%add3A_205] : memref<323584xi32, #tpu.memory_space<hbm>> -> memref<128xi32, #tpu.memory_space<hbm>>
        %dma_start3A_212 = tpu.memref_slice %arg5[%add3A_205] : memref<323584xi32, #tpu.memory_space<hbm>> -> memref<128xi32, #tpu.memory_space<hbm>>
        tpu.enqueue_dma source(%dma_start3A_212 : memref<128xi32, #tpu.memory_space<hbm>>) target(%arg13 : memref<128xi32, #tpu.memory_space<vmem>>) target_semaphore(%arg27 : memref<!tpu.dma_semaphore, #tpu.memory_space<semaphore_mem>>)
        %dma_wait3A_213 = tpu.memref_slice %arg4[%add3A_206] : memref<647168xi32, #tpu.memory_space<hbm>> -> memref<128xi32, #tpu.memory_space<hbm>>
        %dma_wait3A_214 = tpu.memref_slice %arg4[%add3A_206] : memref<647168xi32, #tpu.memory_space<hbm>> -> memref<128xi32, #tpu.memory_space<hbm>>
        tpu.wait_dma2 semaphore(%arg27 : memref<!tpu.dma_semaphore, #tpu.memory_space<semaphore_mem>>) src(%dma_wait3A_214 : memref<128xi32, #tpu.memory_space<hbm>>) dst(%arg9 : memref<128xi32, #tpu.memory_space<vmem>>)
        %dma_wait3A_215 = tpu.memref_slice %arg3[%add3A_205] : memref<323584xi32, #tpu.memory_space<hbm>> -> memref<128xi32, #tpu.memory_space<hbm>>
        %dma_wait3A_216 = tpu.memref_slice %arg3[%add3A_205] : memref<323584xi32, #tpu.memory_space<hbm>> -> memref<128xi32, #tpu.memory_space<hbm>>
        tpu.wait_dma2 semaphore(%arg27 : memref<!tpu.dma_semaphore, #tpu.memory_space<semaphore_mem>>) src(%dma_wait3A_216 : memref<128xi32, #tpu.memory_space<hbm>>) dst(%arg11 : memref<128xi32, #tpu.memory_space<vmem>>)
        %dma_wait3A_217 = tpu.memref_slice %arg5[%add3A_205] : memref<323584xi32, #tpu.memory_space<hbm>> -> memref<128xi32, #tpu.memory_space<hbm>>
        %dma_wait3A_218 = tpu.memref_slice %arg5[%add3A_205] : memref<323584xi32, #tpu.memory_space<hbm>> -> memref<128xi32, #tpu.memory_space<hbm>>
        tpu.wait_dma2 semaphore(%arg27 : memref<!tpu.dma_semaphore, #tpu.memory_space<semaphore_mem>>) src(%dma_wait3A_218 : memref<128xi32, #tpu.memory_space<hbm>>) dst(%arg13 : memref<128xi32, #tpu.memory_space<vmem>>)
        %dma_start3A_219 = arith.constant 0 : i32
        %dma_start3A_220 = arith.constant 0 : i32
        %dma_start3A_221 = tpu.memref_slice %arg2[%dma_start3A_219, %dma_start3A_220] : memref<20000x64xf32, #tpu.memory_space<hbm>> -> memref<20000x64xf32, #tpu.memory_space<hbm>>
        tpu.enqueue_indirect_dma source(%dma_start3A_221 : memref<20000x64xf32, #tpu.memory_space<hbm>>) target(%arg15 : memref<128x64xf32, #tpu.memory_space<vmem>>) offsets(%arg9 : memref<128xi32, #tpu.memory_space<vmem>>) semaphore(%arg23 : memref<!tpu.dma_semaphore, #tpu.memory_space<semaphore_mem>>)
        %dma_start3A_222 = arith.constant 0 : i32
        %dma_start3A_223 = arith.constant 0 : i32
        %dma_start3A_224 = tpu.memref_slice %arg20[%dma_start3A_222, %dma_start3A_223] : memref<32x64xf32, #tpu.memory_space<vmem_shared>> -> memref<32x64xf32, #tpu.memory_space<vmem_shared>>
        tpu.enqueue_indirect_dma source(%dma_start3A_224 : memref<32x64xf32, #tpu.memory_space<vmem_shared>>) target(%arg17 : memref<128x64xf32, #tpu.memory_space<vmem>>) offsets(%arg13 : memref<128xi32, #tpu.memory_space<vmem>>) semaphore(%arg25 : memref<!tpu.dma_semaphore, #tpu.memory_space<semaphore_mem>>)
        %dma_wait3A_225 = arith.constant 0 : i32
        %dma_wait3A_226 = arith.constant 0 : i32
        %dma_wait3A_227 = tpu.memref_slice %arg21[%dma_wait3A_225, %dma_wait3A_226] : memref<10112x64xf32, #tpu.memory_space<vmem_shared>> -> memref<10112x64xf32, #tpu.memory_space<vmem_shared>>
        tpu.wait_indirect_dma semaphore(%arg30 : memref<!tpu.dma_semaphore, #tpu.memory_space<semaphore_mem>>) src(%arg18 : memref<128x64xf32, #tpu.memory_space<vmem>>) dst(%dma_wait3A_227 : memref<10112x64xf32, #tpu.memory_space<vmem_shared>>)
        %eq3A_228 = arith.constant 0 : i32
        %eq3A_229 = arith.cmpi eq, %arg0, %eq3A_228 : i32
        %convert_element_type3A_230 = arith.extui %eq3A_229 : i1 to i32
        %cond3A_231 = arith.constant 0 : i32
        %cond3A_232 = arith.cmpi ne, %convert_element_type3A_230, %cond3A_231 : i32
        scf.if %cond3A_232 {
          %dma_wait3A_261 = arith.constant 0 : i32
          %dma_wait3A_262 = arith.constant 0 : i32
          %dma_wait3A_263 = tpu.memref_slice %arg22[%dma_wait3A_261, %dma_wait3A_262] : memref<10112x16xf32, #tpu.memory_space<vmem_shared>> -> memref<10112x16xf32, #tpu.memory_space<vmem_shared>>
          tpu.wait_indirect_dma semaphore(%arg30 : memref<!tpu.dma_semaphore, #tpu.memory_space<semaphore_mem>>) src(%arg19 : memref<128x16xf32, #tpu.memory_space<vmem>>) dst(%dma_wait3A_263 : memref<10112x16xf32, #tpu.memory_space<vmem_shared>>)
        } else {
        }
        %add3A_233 = arith.constant 1 : i32
        %add3A_234 = arith.addi %scan3A_138, %add3A_233 : i32
        %mul3A_235 = arith.constant 2 : i32
        %mul3A_236 = arith.muli %mul3A_235, %add3A_234 : i32
        %add3A_237 = arith.constant 1 : i32
        %add3A_238 = arith.addi %mul3A_236, %add3A_237 : i32
        %mul3A_239 = arith.constant 128 : i32
        %mul3A_240 = arith.muli %add3A_238, %mul3A_239 : i32
        %add3A_241 = arith.addi %mul3A_43, %mul3A_240 : i32
        %add3A_242 = arith.addi %mul3A_45, %add3A_241 : i32
        %dma_start3A_243 = tpu.memref_slice %arg4[%add3A_242] : memref<647168xi32, #tpu.memory_space<hbm>> -> memref<128xi32, #tpu.memory_space<hbm>>
        %dma_start3A_244 = tpu.memref_slice %arg4[%add3A_242] : memref<647168xi32, #tpu.memory_space<hbm>> -> memref<128xi32, #tpu.memory_space<hbm>>
        tpu.enqueue_dma source(%dma_start3A_244 : memref<128xi32, #tpu.memory_space<hbm>>) target(%arg10 : memref<128xi32, #tpu.memory_space<vmem>>) target_semaphore(%arg28 : memref<!tpu.dma_semaphore, #tpu.memory_space<semaphore_mem>>)
        %dma_start3A_245 = tpu.memref_slice %arg3[%add3A_241] : memref<323584xi32, #tpu.memory_space<hbm>> -> memref<128xi32, #tpu.memory_space<hbm>>
        %dma_start3A_246 = tpu.memref_slice %arg3[%add3A_241] : memref<323584xi32, #tpu.memory_space<hbm>> -> memref<128xi32, #tpu.memory_space<hbm>>
        tpu.enqueue_dma source(%dma_start3A_246 : memref<128xi32, #tpu.memory_space<hbm>>) target(%arg12 : memref<128xi32, #tpu.memory_space<vmem>>) target_semaphore(%arg28 : memref<!tpu.dma_semaphore, #tpu.memory_space<semaphore_mem>>)
        %dma_start3A_247 = tpu.memref_slice %arg5[%add3A_241] : memref<323584xi32, #tpu.memory_space<hbm>> -> memref<128xi32, #tpu.memory_space<hbm>>
        %dma_start3A_248 = tpu.memref_slice %arg5[%add3A_241] : memref<323584xi32, #tpu.memory_space<hbm>> -> memref<128xi32, #tpu.memory_space<hbm>>
        tpu.enqueue_dma source(%dma_start3A_248 : memref<128xi32, #tpu.memory_space<hbm>>) target(%arg14 : memref<128xi32, #tpu.memory_space<vmem>>) target_semaphore(%arg28 : memref<!tpu.dma_semaphore, #tpu.memory_space<semaphore_mem>>)
        %dma_wait3A_249 = tpu.memref_slice %arg4[%add3A_242] : memref<647168xi32, #tpu.memory_space<hbm>> -> memref<128xi32, #tpu.memory_space<hbm>>
        %dma_wait3A_250 = tpu.memref_slice %arg4[%add3A_242] : memref<647168xi32, #tpu.memory_space<hbm>> -> memref<128xi32, #tpu.memory_space<hbm>>
        tpu.wait_dma2 semaphore(%arg28 : memref<!tpu.dma_semaphore, #tpu.memory_space<semaphore_mem>>) src(%dma_wait3A_250 : memref<128xi32, #tpu.memory_space<hbm>>) dst(%arg10 : memref<128xi32, #tpu.memory_space<vmem>>)
        %dma_wait3A_251 = tpu.memref_slice %arg3[%add3A_241] : memref<323584xi32, #tpu.memory_space<hbm>> -> memref<128xi32, #tpu.memory_space<hbm>>
        %dma_wait3A_252 = tpu.memref_slice %arg3[%add3A_241] : memref<323584xi32, #tpu.memory_space<hbm>> -> memref<128xi32, #tpu.memory_space<hbm>>
        tpu.wait_dma2 semaphore(%arg28 : memref<!tpu.dma_semaphore, #tpu.memory_space<semaphore_mem>>) src(%dma_wait3A_252 : memref<128xi32, #tpu.memory_space<hbm>>) dst(%arg12 : memref<128xi32, #tpu.memory_space<vmem>>)
        %dma_wait3A_253 = tpu.memref_slice %arg5[%add3A_241] : memref<323584xi32, #tpu.memory_space<hbm>> -> memref<128xi32, #tpu.memory_space<hbm>>
        %dma_wait3A_254 = tpu.memref_slice %arg5[%add3A_241] : memref<323584xi32, #tpu.memory_space<hbm>> -> memref<128xi32, #tpu.memory_space<hbm>>
        tpu.wait_dma2 semaphore(%arg28 : memref<!tpu.dma_semaphore, #tpu.memory_space<semaphore_mem>>) src(%dma_wait3A_254 : memref<128xi32, #tpu.memory_space<hbm>>) dst(%arg14 : memref<128xi32, #tpu.memory_space<vmem>>)
        %dma_start3A_255 = arith.constant 0 : i32
        %dma_start3A_256 = arith.constant 0 : i32
        %dma_start3A_257 = tpu.memref_slice %arg2[%dma_start3A_255, %dma_start3A_256] : memref<20000x64xf32, #tpu.memory_space<hbm>> -> memref<20000x64xf32, #tpu.memory_space<hbm>>
        tpu.enqueue_indirect_dma source(%dma_start3A_257 : memref<20000x64xf32, #tpu.memory_space<hbm>>) target(%arg16 : memref<128x64xf32, #tpu.memory_space<vmem>>) offsets(%arg10 : memref<128xi32, #tpu.memory_space<vmem>>) semaphore(%arg24 : memref<!tpu.dma_semaphore, #tpu.memory_space<semaphore_mem>>)
        %dma_start3A_258 = arith.constant 0 : i32
        %dma_start3A_259 = arith.constant 0 : i32
        %dma_start3A_260 = tpu.memref_slice %arg20[%dma_start3A_258, %dma_start3A_259] : memref<32x64xf32, #tpu.memory_space<vmem_shared>> -> memref<32x64xf32, #tpu.memory_space<vmem_shared>>
        tpu.enqueue_indirect_dma source(%dma_start3A_260 : memref<32x64xf32, #tpu.memory_space<vmem_shared>>) target(%arg18 : memref<128x64xf32, #tpu.memory_space<vmem>>) offsets(%arg14 : memref<128xi32, #tpu.memory_space<vmem>>) semaphore(%arg26 : memref<!tpu.dma_semaphore, #tpu.memory_space<semaphore_mem>>)
      } else {
      }
      %scan3A_188 = arith.constant 0 : i32
      scf.yield %scan3A_188 : i32
    }
    %scan3A_92 = arith.constant 79 : i32
    %dma_wait3A_93 = arith.constant 0 : i32
    %dma_wait3A_94 = arith.constant 0 : i32
    %dma_wait3A_95 = tpu.memref_slice %arg21[%dma_wait3A_93, %dma_wait3A_94] : memref<10112x64xf32, #tpu.memory_space<vmem_shared>> -> memref<10112x64xf32, #tpu.memory_space<vmem_shared>>
    tpu.wait_indirect_dma semaphore(%arg29 : memref<!tpu.dma_semaphore, #tpu.memory_space<semaphore_mem>>) src(%arg17 : memref<128x64xf32, #tpu.memory_space<vmem>>) dst(%dma_wait3A_95 : memref<10112x64xf32, #tpu.memory_space<vmem_shared>>)
    %eq3A_96 = arith.constant 0 : i32
    %eq3A_97 = arith.cmpi eq, %arg0, %eq3A_96 : i32
    %convert_element_type3A_98 = arith.extui %eq3A_97 : i1 to i32
    %cond3A_99 = arith.constant 0 : i32
    %cond3A_100 = arith.cmpi ne, %convert_element_type3A_98, %cond3A_99 : i32
    scf.if %cond3A_100 {
      %dma_wait3A_138 = arith.constant 0 : i32
      %dma_wait3A_139 = arith.constant 0 : i32
      %dma_wait3A_140 = tpu.memref_slice %arg22[%dma_wait3A_138, %dma_wait3A_139] : memref<10112x16xf32, #tpu.memory_space<vmem_shared>> -> memref<10112x16xf32, #tpu.memory_space<vmem_shared>>
      tpu.wait_indirect_dma semaphore(%arg29 : memref<!tpu.dma_semaphore, #tpu.memory_space<semaphore_mem>>) src(%arg19 : memref<128x16xf32, #tpu.memory_space<vmem>>) dst(%dma_wait3A_140 : memref<10112x16xf32, #tpu.memory_space<vmem_shared>>)
    } else {
    }
    %dma_wait3A_101 = arith.constant 0 : i32
    %dma_wait3A_102 = arith.constant 0 : i32
    %dma_wait3A_103 = tpu.memref_slice %arg21[%dma_wait3A_101, %dma_wait3A_102] : memref<10112x64xf32, #tpu.memory_space<vmem_shared>> -> memref<10112x64xf32, #tpu.memory_space<vmem_shared>>
    tpu.wait_indirect_dma semaphore(%arg30 : memref<!tpu.dma_semaphore, #tpu.memory_space<semaphore_mem>>) src(%arg18 : memref<128x64xf32, #tpu.memory_space<vmem>>) dst(%dma_wait3A_103 : memref<10112x64xf32, #tpu.memory_space<vmem_shared>>)
    %eq3A_104 = arith.constant 0 : i32
    %eq3A_105 = arith.cmpi eq, %arg0, %eq3A_104 : i32
    %convert_element_type3A_106 = arith.extui %eq3A_105 : i1 to i32
    %cond3A_107 = arith.constant 0 : i32
    %cond3A_108 = arith.cmpi ne, %convert_element_type3A_106, %cond3A_107 : i32
    scf.if %cond3A_108 {
      %dma_wait3A_138 = arith.constant 0 : i32
      %dma_wait3A_139 = arith.constant 0 : i32
      %dma_wait3A_140 = tpu.memref_slice %arg22[%dma_wait3A_138, %dma_wait3A_139] : memref<10112x16xf32, #tpu.memory_space<vmem_shared>> -> memref<10112x16xf32, #tpu.memory_space<vmem_shared>>
      tpu.wait_indirect_dma semaphore(%arg30 : memref<!tpu.dma_semaphore, #tpu.memory_space<semaphore_mem>>) src(%arg19 : memref<128x16xf32, #tpu.memory_space<vmem>>) dst(%dma_wait3A_140 : memref<10112x16xf32, #tpu.memory_space<vmem_shared>>)
    } else {
    }
    %barrier3A_109 = arith.constant 0 : index
    tpu.barrier barrier_id(%barrier3A_109)
    %mul3A_110 = arith.constant 10112 : i32
    %mul3A_111 = arith.muli %arg0, %mul3A_110 : i32
    %add3A_112 = arith.addi %mul3A_111, %mul3A_7 : i32
    %add3A_113 = arith.constant 0 : i32
    %add3A_114 = arith.addi %mul3A_7, %add3A_113 : i32
    "tpu.region"() ({
      %run_scoped3A = tpu.sem_alloc : memref<!tpu.dma_semaphore, #tpu.memory_space<semaphore_mem>>
      %dma_start3A_138 = arith.constant 0 : i32
      %dma_start3A_139 = arith.constant 0 : i32
      %dma_start3A_140 = tpu.memref_slice %arg15[%dma_start3A_138, %dma_start3A_139] : memref<128x64xf32, #tpu.memory_space<vmem>> -> memref<128x64xf32, #tpu.memory_space<vmem>>
      %dma_start3A_141 = arith.constant 0 : i32
      %dma_start3A_142 = tpu.memref_slice %arg21[%add3A_114, %dma_start3A_141] : memref<10112x64xf32, #tpu.memory_space<vmem_shared>> -> memref<128x64xf32, #tpu.memory_space<vmem_shared>>
      %dma_start3A_143 = arith.constant 0 : i32
      %dma_start3A_144 = arith.constant 0 : i32
      %dma_start3A_145 = tpu.memref_slice %arg15[%dma_start3A_143, %dma_start3A_144] : memref<128x64xf32, #tpu.memory_space<vmem>> -> memref<128x64xf32, #tpu.memory_space<vmem>>
      %dma_start3A_146 = arith.constant 0 : i32
      %dma_start3A_147 = tpu.memref_slice %arg21[%add3A_114, %dma_start3A_146] : memref<10112x64xf32, #tpu.memory_space<vmem_shared>> -> memref<128x64xf32, #tpu.memory_space<vmem_shared>>
      tpu.enqueue_dma source(%dma_start3A_147 : memref<128x64xf32, #tpu.memory_space<vmem_shared>>) target(%dma_start3A_145 : memref<128x64xf32, #tpu.memory_space<vmem>>) target_semaphore(%run_scoped3A : memref<!tpu.dma_semaphore, #tpu.memory_space<semaphore_mem>>)
      %dma_wait3A_148 = arith.constant 0 : i32
      %dma_wait3A_149 = arith.constant 0 : i32
      %dma_wait3A_150 = tpu.memref_slice %arg15[%dma_wait3A_148, %dma_wait3A_149] : memref<128x64xf32, #tpu.memory_space<vmem>> -> memref<128x64xf32, #tpu.memory_space<vmem>>
      %dma_wait3A_151 = arith.constant 0 : i32
      %dma_wait3A_152 = tpu.memref_slice %arg21[%add3A_114, %dma_wait3A_151] : memref<10112x64xf32, #tpu.memory_space<vmem_shared>> -> memref<128x64xf32, #tpu.memory_space<vmem_shared>>
      %dma_wait3A_153 = arith.constant 0 : i32
      %dma_wait3A_154 = arith.constant 0 : i32
      %dma_wait3A_155 = tpu.memref_slice %arg15[%dma_wait3A_153, %dma_wait3A_154] : memref<128x64xf32, #tpu.memory_space<vmem>> -> memref<128x64xf32, #tpu.memory_space<vmem>>
      %dma_wait3A_156 = arith.constant 0 : i32
      %dma_wait3A_157 = tpu.memref_slice %arg21[%add3A_114, %dma_wait3A_156] : memref<10112x64xf32, #tpu.memory_space<vmem_shared>> -> memref<128x64xf32, #tpu.memory_space<vmem_shared>>
      tpu.wait_dma2 semaphore(%run_scoped3A : memref<!tpu.dma_semaphore, #tpu.memory_space<semaphore_mem>>) src(%dma_wait3A_157 : memref<128x64xf32, #tpu.memory_space<vmem_shared>>) dst(%dma_wait3A_155 : memref<128x64xf32, #tpu.memory_space<vmem>>)
      tpu.yield
    }) : () -> ()
    %add3A_115 = arith.constant 0 : i32
    %add3A_116 = arith.addi %add3A_112, %add3A_115 : i32
    "tpu.region"() ({
      %run_scoped3A = tpu.sem_alloc : memref<!tpu.dma_semaphore, #tpu.memory_space<semaphore_mem>>
      %dma_start3A_138 = arith.constant 0 : i32
      %dma_start3A_139 = arith.constant 0 : i32
      %dma_start3A_140 = tpu.memref_slice %arg15[%dma_start3A_138, %dma_start3A_139] : memref<128x64xf32, #tpu.memory_space<vmem>> -> memref<128x64xf32, #tpu.memory_space<vmem>>
      %dma_start3A_141 = arith.constant 0 : i32
      %dma_start3A_142 = tpu.memref_slice %arg7[%add3A_116, %dma_start3A_141] : memref<20224x64xf32, #tpu.memory_space<hbm>> -> memref<128x64xf32, #tpu.memory_space<hbm>>
      %dma_start3A_143 = arith.constant 0 : i32
      %dma_start3A_144 = tpu.memref_slice %arg7[%add3A_116, %dma_start3A_143] : memref<20224x64xf32, #tpu.memory_space<hbm>> -> memref<128x64xf32, #tpu.memory_space<hbm>>
      %dma_start3A_145 = arith.constant 0 : i32
      %dma_start3A_146 = arith.constant 0 : i32
      %dma_start3A_147 = tpu.memref_slice %arg15[%dma_start3A_145, %dma_start3A_146] : memref<128x64xf32, #tpu.memory_space<vmem>> -> memref<128x64xf32, #tpu.memory_space<vmem>>
      tpu.enqueue_dma source(%dma_start3A_147 : memref<128x64xf32, #tpu.memory_space<vmem>>) target(%dma_start3A_144 : memref<128x64xf32, #tpu.memory_space<hbm>>) target_semaphore(%run_scoped3A : memref<!tpu.dma_semaphore, #tpu.memory_space<semaphore_mem>>)
      %dma_wait3A_148 = arith.constant 0 : i32
      %dma_wait3A_149 = arith.constant 0 : i32
      %dma_wait3A_150 = tpu.memref_slice %arg15[%dma_wait3A_148, %dma_wait3A_149] : memref<128x64xf32, #tpu.memory_space<vmem>> -> memref<128x64xf32, #tpu.memory_space<vmem>>
      %dma_wait3A_151 = arith.constant 0 : i32
      %dma_wait3A_152 = tpu.memref_slice %arg7[%add3A_116, %dma_wait3A_151] : memref<20224x64xf32, #tpu.memory_space<hbm>> -> memref<128x64xf32, #tpu.memory_space<hbm>>
      %dma_wait3A_153 = arith.constant 0 : i32
      %dma_wait3A_154 = tpu.memref_slice %arg7[%add3A_116, %dma_wait3A_153] : memref<20224x64xf32, #tpu.memory_space<hbm>> -> memref<128x64xf32, #tpu.memory_space<hbm>>
      %dma_wait3A_155 = arith.constant 0 : i32
      %dma_wait3A_156 = arith.constant 0 : i32
      %dma_wait3A_157 = tpu.memref_slice %arg15[%dma_wait3A_155, %dma_wait3A_156] : memref<128x64xf32, #tpu.memory_space<vmem>> -> memref<128x64xf32, #tpu.memory_space<vmem>>
      tpu.wait_dma2 semaphore(%run_scoped3A : memref<!tpu.dma_semaphore, #tpu.memory_space<semaphore_mem>>) src(%dma_wait3A_157 : memref<128x64xf32, #tpu.memory_space<vmem>>) dst(%dma_wait3A_154 : memref<128x64xf32, #tpu.memory_space<hbm>>)
      tpu.yield
    }) : () -> ()
    %add3A_117 = arith.constant 128 : i32
    %add3A_118 = arith.addi %mul3A_7, %add3A_117 : i32
    "tpu.region"() ({
      %run_scoped3A = tpu.sem_alloc : memref<!tpu.dma_semaphore, #tpu.memory_space<semaphore_mem>>
      %dma_start3A_138 = arith.constant 0 : i32
      %dma_start3A_139 = arith.constant 0 : i32
      %dma_start3A_140 = tpu.memref_slice %arg15[%dma_start3A_138, %dma_start3A_139] : memref<128x64xf32, #tpu.memory_space<vmem>> -> memref<128x64xf32, #tpu.memory_space<vmem>>
      %dma_start3A_141 = arith.constant 0 : i32
      %dma_start3A_142 = tpu.memref_slice %arg21[%add3A_118, %dma_start3A_141] : memref<10112x64xf32, #tpu.memory_space<vmem_shared>> -> memref<128x64xf32, #tpu.memory_space<vmem_shared>>
      %dma_start3A_143 = arith.constant 0 : i32
      %dma_start3A_144 = arith.constant 0 : i32
      %dma_start3A_145 = tpu.memref_slice %arg15[%dma_start3A_143, %dma_start3A_144] : memref<128x64xf32, #tpu.memory_space<vmem>> -> memref<128x64xf32, #tpu.memory_space<vmem>>
      %dma_start3A_146 = arith.constant 0 : i32
      %dma_start3A_147 = tpu.memref_slice %arg21[%add3A_118, %dma_start3A_146] : memref<10112x64xf32, #tpu.memory_space<vmem_shared>> -> memref<128x64xf32, #tpu.memory_space<vmem_shared>>
      tpu.enqueue_dma source(%dma_start3A_147 : memref<128x64xf32, #tpu.memory_space<vmem_shared>>) target(%dma_start3A_145 : memref<128x64xf32, #tpu.memory_space<vmem>>) target_semaphore(%run_scoped3A : memref<!tpu.dma_semaphore, #tpu.memory_space<semaphore_mem>>)
      %dma_wait3A_148 = arith.constant 0 : i32
      %dma_wait3A_149 = arith.constant 0 : i32
      %dma_wait3A_150 = tpu.memref_slice %arg15[%dma_wait3A_148, %dma_wait3A_149] : memref<128x64xf32, #tpu.memory_space<vmem>> -> memref<128x64xf32, #tpu.memory_space<vmem>>
      %dma_wait3A_151 = arith.constant 0 : i32
      %dma_wait3A_152 = tpu.memref_slice %arg21[%add3A_118, %dma_wait3A_151] : memref<10112x64xf32, #tpu.memory_space<vmem_shared>> -> memref<128x64xf32, #tpu.memory_space<vmem_shared>>
      %dma_wait3A_153 = arith.constant 0 : i32
      %dma_wait3A_154 = arith.constant 0 : i32
      %dma_wait3A_155 = tpu.memref_slice %arg15[%dma_wait3A_153, %dma_wait3A_154] : memref<128x64xf32, #tpu.memory_space<vmem>> -> memref<128x64xf32, #tpu.memory_space<vmem>>
      %dma_wait3A_156 = arith.constant 0 : i32
      %dma_wait3A_157 = tpu.memref_slice %arg21[%add3A_118, %dma_wait3A_156] : memref<10112x64xf32, #tpu.memory_space<vmem_shared>> -> memref<128x64xf32, #tpu.memory_space<vmem_shared>>
      tpu.wait_dma2 semaphore(%run_scoped3A : memref<!tpu.dma_semaphore, #tpu.memory_space<semaphore_mem>>) src(%dma_wait3A_157 : memref<128x64xf32, #tpu.memory_space<vmem_shared>>) dst(%dma_wait3A_155 : memref<128x64xf32, #tpu.memory_space<vmem>>)
      tpu.yield
    }) : () -> ()
    %add3A_119 = arith.constant 128 : i32
    %add3A_120 = arith.addi %add3A_112, %add3A_119 : i32
    "tpu.region"() ({
      %run_scoped3A = tpu.sem_alloc : memref<!tpu.dma_semaphore, #tpu.memory_space<semaphore_mem>>
      %dma_start3A_138 = arith.constant 0 : i32
      %dma_start3A_139 = arith.constant 0 : i32
      %dma_start3A_140 = tpu.memref_slice %arg15[%dma_start3A_138, %dma_start3A_139] : memref<128x64xf32, #tpu.memory_space<vmem>> -> memref<128x64xf32, #tpu.memory_space<vmem>>
      %dma_start3A_141 = arith.constant 0 : i32
      %dma_start3A_142 = tpu.memref_slice %arg7[%add3A_120, %dma_start3A_141] : memref<20224x64xf32, #tpu.memory_space<hbm>> -> memref<128x64xf32, #tpu.memory_space<hbm>>
      %dma_start3A_143 = arith.constant 0 : i32
      %dma_start3A_144 = tpu.memref_slice %arg7[%add3A_120, %dma_start3A_143] : memref<20224x64xf32, #tpu.memory_space<hbm>> -> memref<128x64xf32, #tpu.memory_space<hbm>>
      %dma_start3A_145 = arith.constant 0 : i32
      %dma_start3A_146 = arith.constant 0 : i32
      %dma_start3A_147 = tpu.memref_slice %arg15[%dma_start3A_145, %dma_start3A_146] : memref<128x64xf32, #tpu.memory_space<vmem>> -> memref<128x64xf32, #tpu.memory_space<vmem>>
      tpu.enqueue_dma source(%dma_start3A_147 : memref<128x64xf32, #tpu.memory_space<vmem>>) target(%dma_start3A_144 : memref<128x64xf32, #tpu.memory_space<hbm>>) target_semaphore(%run_scoped3A : memref<!tpu.dma_semaphore, #tpu.memory_space<semaphore_mem>>)
      %dma_wait3A_148 = arith.constant 0 : i32
      %dma_wait3A_149 = arith.constant 0 : i32
      %dma_wait3A_150 = tpu.memref_slice %arg15[%dma_wait3A_148, %dma_wait3A_149] : memref<128x64xf32, #tpu.memory_space<vmem>> -> memref<128x64xf32, #tpu.memory_space<vmem>>
      %dma_wait3A_151 = arith.constant 0 : i32
      %dma_wait3A_152 = tpu.memref_slice %arg7[%add3A_120, %dma_wait3A_151] : memref<20224x64xf32, #tpu.memory_space<hbm>> -> memref<128x64xf32, #tpu.memory_space<hbm>>
      %dma_wait3A_153 = arith.constant 0 : i32
      %dma_wait3A_154 = tpu.memref_slice %arg7[%add3A_120, %dma_wait3A_153] : memref<20224x64xf32, #tpu.memory_space<hbm>> -> memref<128x64xf32, #tpu.memory_space<hbm>>
      %dma_wait3A_155 = arith.constant 0 : i32
      %dma_wait3A_156 = arith.constant 0 : i32
      %dma_wait3A_157 = tpu.memref_slice %arg15[%dma_wait3A_155, %dma_wait3A_156] : memref<128x64xf32, #tpu.memory_space<vmem>> -> memref<128x64xf32, #tpu.memory_space<vmem>>
      tpu.wait_dma2 semaphore(%run_scoped3A : memref<!tpu.dma_semaphore, #tpu.memory_space<semaphore_mem>>) src(%dma_wait3A_157 : memref<128x64xf32, #tpu.memory_space<vmem>>) dst(%dma_wait3A_154 : memref<128x64xf32, #tpu.memory_space<hbm>>)
      tpu.yield
    }) : () -> ()
    %add3A_121 = arith.constant 256 : i32
    %add3A_122 = arith.addi %mul3A_7, %add3A_121 : i32
    "tpu.region"() ({
      %run_scoped3A = tpu.sem_alloc : memref<!tpu.dma_semaphore, #tpu.memory_space<semaphore_mem>>
      %dma_start3A_138 = arith.constant 0 : i32
      %dma_start3A_139 = arith.constant 0 : i32
      %dma_start3A_140 = tpu.memref_slice %arg15[%dma_start3A_138, %dma_start3A_139] : memref<128x64xf32, #tpu.memory_space<vmem>> -> memref<128x64xf32, #tpu.memory_space<vmem>>
      %dma_start3A_141 = arith.constant 0 : i32
      %dma_start3A_142 = tpu.memref_slice %arg21[%add3A_122, %dma_start3A_141] : memref<10112x64xf32, #tpu.memory_space<vmem_shared>> -> memref<128x64xf32, #tpu.memory_space<vmem_shared>>
      %dma_start3A_143 = arith.constant 0 : i32
      %dma_start3A_144 = arith.constant 0 : i32
      %dma_start3A_145 = tpu.memref_slice %arg15[%dma_start3A_143, %dma_start3A_144] : memref<128x64xf32, #tpu.memory_space<vmem>> -> memref<128x64xf32, #tpu.memory_space<vmem>>
      %dma_start3A_146 = arith.constant 0 : i32
      %dma_start3A_147 = tpu.memref_slice %arg21[%add3A_122, %dma_start3A_146] : memref<10112x64xf32, #tpu.memory_space<vmem_shared>> -> memref<128x64xf32, #tpu.memory_space<vmem_shared>>
      tpu.enqueue_dma source(%dma_start3A_147 : memref<128x64xf32, #tpu.memory_space<vmem_shared>>) target(%dma_start3A_145 : memref<128x64xf32, #tpu.memory_space<vmem>>) target_semaphore(%run_scoped3A : memref<!tpu.dma_semaphore, #tpu.memory_space<semaphore_mem>>)
      %dma_wait3A_148 = arith.constant 0 : i32
      %dma_wait3A_149 = arith.constant 0 : i32
      %dma_wait3A_150 = tpu.memref_slice %arg15[%dma_wait3A_148, %dma_wait3A_149] : memref<128x64xf32, #tpu.memory_space<vmem>> -> memref<128x64xf32, #tpu.memory_space<vmem>>
      %dma_wait3A_151 = arith.constant 0 : i32
      %dma_wait3A_152 = tpu.memref_slice %arg21[%add3A_122, %dma_wait3A_151] : memref<10112x64xf32, #tpu.memory_space<vmem_shared>> -> memref<128x64xf32, #tpu.memory_space<vmem_shared>>
      %dma_wait3A_153 = arith.constant 0 : i32
      %dma_wait3A_154 = arith.constant 0 : i32
      %dma_wait3A_155 = tpu.memref_slice %arg15[%dma_wait3A_153, %dma_wait3A_154] : memref<128x64xf32, #tpu.memory_space<vmem>> -> memref<128x64xf32, #tpu.memory_space<vmem>>
      %dma_wait3A_156 = arith.constant 0 : i32
      %dma_wait3A_157 = tpu.memref_slice %arg21[%add3A_122, %dma_wait3A_156] : memref<10112x64xf32, #tpu.memory_space<vmem_shared>> -> memref<128x64xf32, #tpu.memory_space<vmem_shared>>
      tpu.wait_dma2 semaphore(%run_scoped3A : memref<!tpu.dma_semaphore, #tpu.memory_space<semaphore_mem>>) src(%dma_wait3A_157 : memref<128x64xf32, #tpu.memory_space<vmem_shared>>) dst(%dma_wait3A_155 : memref<128x64xf32, #tpu.memory_space<vmem>>)
      tpu.yield
    }) : () -> ()
    %add3A_123 = arith.constant 256 : i32
    %add3A_124 = arith.addi %add3A_112, %add3A_123 : i32
    "tpu.region"() ({
      %run_scoped3A = tpu.sem_alloc : memref<!tpu.dma_semaphore, #tpu.memory_space<semaphore_mem>>
      %dma_start3A_138 = arith.constant 0 : i32
      %dma_start3A_139 = arith.constant 0 : i32
      %dma_start3A_140 = tpu.memref_slice %arg15[%dma_start3A_138, %dma_start3A_139] : memref<128x64xf32, #tpu.memory_space<vmem>> -> memref<128x64xf32, #tpu.memory_space<vmem>>
      %dma_start3A_141 = arith.constant 0 : i32
      %dma_start3A_142 = tpu.memref_slice %arg7[%add3A_124, %dma_start3A_141] : memref<20224x64xf32, #tpu.memory_space<hbm>> -> memref<128x64xf32, #tpu.memory_space<hbm>>
      %dma_start3A_143 = arith.constant 0 : i32
      %dma_start3A_144 = tpu.memref_slice %arg7[%add3A_124, %dma_start3A_143] : memref<20224x64xf32, #tpu.memory_space<hbm>> -> memref<128x64xf32, #tpu.memory_space<hbm>>
      %dma_start3A_145 = arith.constant 0 : i32
      %dma_start3A_146 = arith.constant 0 : i32
      %dma_start3A_147 = tpu.memref_slice %arg15[%dma_start3A_145, %dma_start3A_146] : memref<128x64xf32, #tpu.memory_space<vmem>> -> memref<128x64xf32, #tpu.memory_space<vmem>>
      tpu.enqueue_dma source(%dma_start3A_147 : memref<128x64xf32, #tpu.memory_space<vmem>>) target(%dma_start3A_144 : memref<128x64xf32, #tpu.memory_space<hbm>>) target_semaphore(%run_scoped3A : memref<!tpu.dma_semaphore, #tpu.memory_space<semaphore_mem>>)
      %dma_wait3A_148 = arith.constant 0 : i32
      %dma_wait3A_149 = arith.constant 0 : i32
      %dma_wait3A_150 = tpu.memref_slice %arg15[%dma_wait3A_148, %dma_wait3A_149] : memref<128x64xf32, #tpu.memory_space<vmem>> -> memref<128x64xf32, #tpu.memory_space<vmem>>
      %dma_wait3A_151 = arith.constant 0 : i32
      %dma_wait3A_152 = tpu.memref_slice %arg7[%add3A_124, %dma_wait3A_151] : memref<20224x64xf32, #tpu.memory_space<hbm>> -> memref<128x64xf32, #tpu.memory_space<hbm>>
      %dma_wait3A_153 = arith.constant 0 : i32
      %dma_wait3A_154 = tpu.memref_slice %arg7[%add3A_124, %dma_wait3A_153] : memref<20224x64xf32, #tpu.memory_space<hbm>> -> memref<128x64xf32, #tpu.memory_space<hbm>>
      %dma_wait3A_155 = arith.constant 0 : i32
      %dma_wait3A_156 = arith.constant 0 : i32
      %dma_wait3A_157 = tpu.memref_slice %arg15[%dma_wait3A_155, %dma_wait3A_156] : memref<128x64xf32, #tpu.memory_space<vmem>> -> memref<128x64xf32, #tpu.memory_space<vmem>>
      tpu.wait_dma2 semaphore(%run_scoped3A : memref<!tpu.dma_semaphore, #tpu.memory_space<semaphore_mem>>) src(%dma_wait3A_157 : memref<128x64xf32, #tpu.memory_space<vmem>>) dst(%dma_wait3A_154 : memref<128x64xf32, #tpu.memory_space<hbm>>)
      tpu.yield
    }) : () -> ()
    %add3A_125 = arith.constant 384 : i32
    %add3A_126 = arith.addi %mul3A_7, %add3A_125 : i32
    "tpu.region"() ({
      %run_scoped3A = tpu.sem_alloc : memref<!tpu.dma_semaphore, #tpu.memory_space<semaphore_mem>>
      %dma_start3A_138 = arith.constant 0 : i32
      %dma_start3A_139 = arith.constant 0 : i32
      %dma_start3A_140 = tpu.memref_slice %arg15[%dma_start3A_138, %dma_start3A_139] : memref<128x64xf32, #tpu.memory_space<vmem>> -> memref<128x64xf32, #tpu.memory_space<vmem>>
      %dma_start3A_141 = arith.constant 0 : i32
      %dma_start3A_142 = tpu.memref_slice %arg21[%add3A_126, %dma_start3A_141] : memref<10112x64xf32, #tpu.memory_space<vmem_shared>> -> memref<128x64xf32, #tpu.memory_space<vmem_shared>>
      %dma_start3A_143 = arith.constant 0 : i32
      %dma_start3A_144 = arith.constant 0 : i32
      %dma_start3A_145 = tpu.memref_slice %arg15[%dma_start3A_143, %dma_start3A_144] : memref<128x64xf32, #tpu.memory_space<vmem>> -> memref<128x64xf32, #tpu.memory_space<vmem>>
      %dma_start3A_146 = arith.constant 0 : i32
      %dma_start3A_147 = tpu.memref_slice %arg21[%add3A_126, %dma_start3A_146] : memref<10112x64xf32, #tpu.memory_space<vmem_shared>> -> memref<128x64xf32, #tpu.memory_space<vmem_shared>>
      tpu.enqueue_dma source(%dma_start3A_147 : memref<128x64xf32, #tpu.memory_space<vmem_shared>>) target(%dma_start3A_145 : memref<128x64xf32, #tpu.memory_space<vmem>>) target_semaphore(%run_scoped3A : memref<!tpu.dma_semaphore, #tpu.memory_space<semaphore_mem>>)
      %dma_wait3A_148 = arith.constant 0 : i32
      %dma_wait3A_149 = arith.constant 0 : i32
      %dma_wait3A_150 = tpu.memref_slice %arg15[%dma_wait3A_148, %dma_wait3A_149] : memref<128x64xf32, #tpu.memory_space<vmem>> -> memref<128x64xf32, #tpu.memory_space<vmem>>
      %dma_wait3A_151 = arith.constant 0 : i32
      %dma_wait3A_152 = tpu.memref_slice %arg21[%add3A_126, %dma_wait3A_151] : memref<10112x64xf32, #tpu.memory_space<vmem_shared>> -> memref<128x64xf32, #tpu.memory_space<vmem_shared>>
      %dma_wait3A_153 = arith.constant 0 : i32
      %dma_wait3A_154 = arith.constant 0 : i32
      %dma_wait3A_155 = tpu.memref_slice %arg15[%dma_wait3A_153, %dma_wait3A_154] : memref<128x64xf32, #tpu.memory_space<vmem>> -> memref<128x64xf32, #tpu.memory_space<vmem>>
      %dma_wait3A_156 = arith.constant 0 : i32
      %dma_wait3A_157 = tpu.memref_slice %arg21[%add3A_126, %dma_wait3A_156] : memref<10112x64xf32, #tpu.memory_space<vmem_shared>> -> memref<128x64xf32, #tpu.memory_space<vmem_shared>>
      tpu.wait_dma2 semaphore(%run_scoped3A : memref<!tpu.dma_semaphore, #tpu.memory_space<semaphore_mem>>) src(%dma_wait3A_157 : memref<128x64xf32, #tpu.memory_space<vmem_shared>>) dst(%dma_wait3A_155 : memref<128x64xf32, #tpu.memory_space<vmem>>)
      tpu.yield
    }) : () -> ()
    %add3A_127 = arith.constant 384 : i32
    %add3A_128 = arith.addi %add3A_112, %add3A_127 : i32
    "tpu.region"() ({
      %run_scoped3A = tpu.sem_alloc : memref<!tpu.dma_semaphore, #tpu.memory_space<semaphore_mem>>
      %dma_start3A_138 = arith.constant 0 : i32
      %dma_start3A_139 = arith.constant 0 : i32
      %dma_start3A_140 = tpu.memref_slice %arg15[%dma_start3A_138, %dma_start3A_139] : memref<128x64xf32, #tpu.memory_space<vmem>> -> memref<128x64xf32, #tpu.memory_space<vmem>>
      %dma_start3A_141 = arith.constant 0 : i32
      %dma_start3A_142 = tpu.memref_slice %arg7[%add3A_128, %dma_start3A_141] : memref<20224x64xf32, #tpu.memory_space<hbm>> -> memref<128x64xf32, #tpu.memory_space<hbm>>
      %dma_start3A_143 = arith.constant 0 : i32
      %dma_start3A_144 = tpu.memref_slice %arg7[%add3A_128, %dma_start3A_143] : memref<20224x64xf32, #tpu.memory_space<hbm>> -> memref<128x64xf32, #tpu.memory_space<hbm>>
      %dma_start3A_145 = arith.constant 0 : i32
      %dma_start3A_146 = arith.constant 0 : i32
      %dma_start3A_147 = tpu.memref_slice %arg15[%dma_start3A_145, %dma_start3A_146] : memref<128x64xf32, #tpu.memory_space<vmem>> -> memref<128x64xf32, #tpu.memory_space<vmem>>
      tpu.enqueue_dma source(%dma_start3A_147 : memref<128x64xf32, #tpu.memory_space<vmem>>) target(%dma_start3A_144 : memref<128x64xf32, #tpu.memory_space<hbm>>) target_semaphore(%run_scoped3A : memref<!tpu.dma_semaphore, #tpu.memory_space<semaphore_mem>>)
      %dma_wait3A_148 = arith.constant 0 : i32
      %dma_wait3A_149 = arith.constant 0 : i32
      %dma_wait3A_150 = tpu.memref_slice %arg15[%dma_wait3A_148, %dma_wait3A_149] : memref<128x64xf32, #tpu.memory_space<vmem>> -> memref<128x64xf32, #tpu.memory_space<vmem>>
      %dma_wait3A_151 = arith.constant 0 : i32
      %dma_wait3A_152 = tpu.memref_slice %arg7[%add3A_128, %dma_wait3A_151] : memref<20224x64xf32, #tpu.memory_space<hbm>> -> memref<128x64xf32, #tpu.memory_space<hbm>>
      %dma_wait3A_153 = arith.constant 0 : i32
      %dma_wait3A_154 = tpu.memref_slice %arg7[%add3A_128, %dma_wait3A_153] : memref<20224x64xf32, #tpu.memory_space<hbm>> -> memref<128x64xf32, #tpu.memory_space<hbm>>
      %dma_wait3A_155 = arith.constant 0 : i32
      %dma_wait3A_156 = arith.constant 0 : i32
      %dma_wait3A_157 = tpu.memref_slice %arg15[%dma_wait3A_155, %dma_wait3A_156] : memref<128x64xf32, #tpu.memory_space<vmem>> -> memref<128x64xf32, #tpu.memory_space<vmem>>
      tpu.wait_dma2 semaphore(%run_scoped3A : memref<!tpu.dma_semaphore, #tpu.memory_space<semaphore_mem>>) src(%dma_wait3A_157 : memref<128x64xf32, #tpu.memory_space<vmem>>) dst(%dma_wait3A_154 : memref<128x64xf32, #tpu.memory_space<hbm>>)
      tpu.yield
    }) : () -> ()
    %add3A_129 = arith.constant 512 : i32
    %add3A_130 = arith.addi %mul3A_7, %add3A_129 : i32
    "tpu.region"() ({
      %run_scoped3A = tpu.sem_alloc : memref<!tpu.dma_semaphore, #tpu.memory_space<semaphore_mem>>
      %dma_start3A_138 = arith.constant 0 : i32
      %dma_start3A_139 = arith.constant 0 : i32
      %dma_start3A_140 = tpu.memref_slice %arg15[%dma_start3A_138, %dma_start3A_139] : memref<128x64xf32, #tpu.memory_space<vmem>> -> memref<120x64xf32, #tpu.memory_space<vmem>>
      %dma_start3A_141 = arith.constant 0 : i32
      %dma_start3A_142 = tpu.memref_slice %arg21[%add3A_130, %dma_start3A_141] : memref<10112x64xf32, #tpu.memory_space<vmem_shared>> -> memref<120x64xf32, #tpu.memory_space<vmem_shared>>
      %dma_start3A_143 = arith.constant 0 : i32
      %dma_start3A_144 = arith.constant 0 : i32
      %dma_start3A_145 = tpu.memref_slice %arg15[%dma_start3A_143, %dma_start3A_144] : memref<128x64xf32, #tpu.memory_space<vmem>> -> memref<120x64xf32, #tpu.memory_space<vmem>>
      %dma_start3A_146 = arith.constant 0 : i32
      %dma_start3A_147 = tpu.memref_slice %arg21[%add3A_130, %dma_start3A_146] : memref<10112x64xf32, #tpu.memory_space<vmem_shared>> -> memref<120x64xf32, #tpu.memory_space<vmem_shared>>
      tpu.enqueue_dma source(%dma_start3A_147 : memref<120x64xf32, #tpu.memory_space<vmem_shared>>) target(%dma_start3A_145 : memref<120x64xf32, #tpu.memory_space<vmem>>) target_semaphore(%run_scoped3A : memref<!tpu.dma_semaphore, #tpu.memory_space<semaphore_mem>>)
      %dma_wait3A_148 = arith.constant 0 : i32
      %dma_wait3A_149 = arith.constant 0 : i32
      %dma_wait3A_150 = tpu.memref_slice %arg15[%dma_wait3A_148, %dma_wait3A_149] : memref<128x64xf32, #tpu.memory_space<vmem>> -> memref<120x64xf32, #tpu.memory_space<vmem>>
      %dma_wait3A_151 = arith.constant 0 : i32
      %dma_wait3A_152 = tpu.memref_slice %arg21[%add3A_130, %dma_wait3A_151] : memref<10112x64xf32, #tpu.memory_space<vmem_shared>> -> memref<120x64xf32, #tpu.memory_space<vmem_shared>>
      %dma_wait3A_153 = arith.constant 0 : i32
      %dma_wait3A_154 = arith.constant 0 : i32
      %dma_wait3A_155 = tpu.memref_slice %arg15[%dma_wait3A_153, %dma_wait3A_154] : memref<128x64xf32, #tpu.memory_space<vmem>> -> memref<120x64xf32, #tpu.memory_space<vmem>>
      %dma_wait3A_156 = arith.constant 0 : i32
      %dma_wait3A_157 = tpu.memref_slice %arg21[%add3A_130, %dma_wait3A_156] : memref<10112x64xf32, #tpu.memory_space<vmem_shared>> -> memref<120x64xf32, #tpu.memory_space<vmem_shared>>
      tpu.wait_dma2 semaphore(%run_scoped3A : memref<!tpu.dma_semaphore, #tpu.memory_space<semaphore_mem>>) src(%dma_wait3A_157 : memref<120x64xf32, #tpu.memory_space<vmem_shared>>) dst(%dma_wait3A_155 : memref<120x64xf32, #tpu.memory_space<vmem>>)
      tpu.yield
    }) : () -> ()
    %add3A_131 = arith.constant 512 : i32
    %add3A_132 = arith.addi %add3A_112, %add3A_131 : i32
    "tpu.region"() ({
      %run_scoped3A = tpu.sem_alloc : memref<!tpu.dma_semaphore, #tpu.memory_space<semaphore_mem>>
      %dma_start3A_138 = arith.constant 0 : i32
      %dma_start3A_139 = arith.constant 0 : i32
      %dma_start3A_140 = tpu.memref_slice %arg15[%dma_start3A_138, %dma_start3A_139] : memref<128x64xf32, #tpu.memory_space<vmem>> -> memref<120x64xf32, #tpu.memory_space<vmem>>
      %dma_start3A_141 = arith.constant 0 : i32
      %dma_start3A_142 = tpu.memref_slice %arg7[%add3A_132, %dma_start3A_141] : memref<20224x64xf32, #tpu.memory_space<hbm>> -> memref<120x64xf32, #tpu.memory_space<hbm>>
      %dma_start3A_143 = arith.constant 0 : i32
      %dma_start3A_144 = tpu.memref_slice %arg7[%add3A_132, %dma_start3A_143] : memref<20224x64xf32, #tpu.memory_space<hbm>> -> memref<120x64xf32, #tpu.memory_space<hbm>>
      %dma_start3A_145 = arith.constant 0 : i32
      %dma_start3A_146 = arith.constant 0 : i32
      %dma_start3A_147 = tpu.memref_slice %arg15[%dma_start3A_145, %dma_start3A_146] : memref<128x64xf32, #tpu.memory_space<vmem>> -> memref<120x64xf32, #tpu.memory_space<vmem>>
      tpu.enqueue_dma source(%dma_start3A_147 : memref<120x64xf32, #tpu.memory_space<vmem>>) target(%dma_start3A_144 : memref<120x64xf32, #tpu.memory_space<hbm>>) target_semaphore(%run_scoped3A : memref<!tpu.dma_semaphore, #tpu.memory_space<semaphore_mem>>)
      %dma_wait3A_148 = arith.constant 0 : i32
      %dma_wait3A_149 = arith.constant 0 : i32
      %dma_wait3A_150 = tpu.memref_slice %arg15[%dma_wait3A_148, %dma_wait3A_149] : memref<128x64xf32, #tpu.memory_space<vmem>> -> memref<120x64xf32, #tpu.memory_space<vmem>>
      %dma_wait3A_151 = arith.constant 0 : i32
      %dma_wait3A_152 = tpu.memref_slice %arg7[%add3A_132, %dma_wait3A_151] : memref<20224x64xf32, #tpu.memory_space<hbm>> -> memref<120x64xf32, #tpu.memory_space<hbm>>
      %dma_wait3A_153 = arith.constant 0 : i32
      %dma_wait3A_154 = tpu.memref_slice %arg7[%add3A_132, %dma_wait3A_153] : memref<20224x64xf32, #tpu.memory_space<hbm>> -> memref<120x64xf32, #tpu.memory_space<hbm>>
      %dma_wait3A_155 = arith.constant 0 : i32
      %dma_wait3A_156 = arith.constant 0 : i32
      %dma_wait3A_157 = tpu.memref_slice %arg15[%dma_wait3A_155, %dma_wait3A_156] : memref<128x64xf32, #tpu.memory_space<vmem>> -> memref<120x64xf32, #tpu.memory_space<vmem>>
      tpu.wait_dma2 semaphore(%run_scoped3A : memref<!tpu.dma_semaphore, #tpu.memory_space<semaphore_mem>>) src(%dma_wait3A_157 : memref<120x64xf32, #tpu.memory_space<vmem>>) dst(%dma_wait3A_154 : memref<120x64xf32, #tpu.memory_space<hbm>>)
      tpu.yield
    }) : () -> ()
    %eq3A_133 = arith.constant 0 : i32
    %eq3A_134 = arith.cmpi eq, %arg0, %eq3A_133 : i32
    %convert_element_type3A_135 = arith.extui %eq3A_134 : i1 to i32
    %cond3A_136 = arith.constant 0 : i32
    %cond3A_137 = arith.cmpi ne, %convert_element_type3A_135, %cond3A_136 : i32
    scf.if %cond3A_137 {
      %add3A_138 = arith.constant 0 : i32
      %add3A_139 = arith.addi %mul3A_7, %add3A_138 : i32
      "tpu.region"() ({
        %run_scoped3A = tpu.sem_alloc : memref<!tpu.dma_semaphore, #tpu.memory_space<semaphore_mem>>
        %dma_start3A_158 = arith.constant 0 : i32
        %dma_start3A_159 = arith.constant 0 : i32
        %dma_start3A_160 = tpu.memref_slice %arg19[%dma_start3A_158, %dma_start3A_159] : memref<128x16xf32, #tpu.memory_space<vmem>> -> memref<128x16xf32, #tpu.memory_space<vmem>>
        %dma_start3A_161 = arith.constant 0 : i32
        %dma_start3A_162 = tpu.memref_slice %arg22[%add3A_139, %dma_start3A_161] : memref<10112x16xf32, #tpu.memory_space<vmem_shared>> -> memref<128x16xf32, #tpu.memory_space<vmem_shared>>
        %dma_start3A_163 = arith.constant 0 : i32
        %dma_start3A_164 = arith.constant 0 : i32
        %dma_start3A_165 = tpu.memref_slice %arg19[%dma_start3A_163, %dma_start3A_164] : memref<128x16xf32, #tpu.memory_space<vmem>> -> memref<128x16xf32, #tpu.memory_space<vmem>>
        %dma_start3A_166 = arith.constant 0 : i32
        %dma_start3A_167 = tpu.memref_slice %arg22[%add3A_139, %dma_start3A_166] : memref<10112x16xf32, #tpu.memory_space<vmem_shared>> -> memref<128x16xf32, #tpu.memory_space<vmem_shared>>
        tpu.enqueue_dma source(%dma_start3A_167 : memref<128x16xf32, #tpu.memory_space<vmem_shared>>) target(%dma_start3A_165 : memref<128x16xf32, #tpu.memory_space<vmem>>) target_semaphore(%run_scoped3A : memref<!tpu.dma_semaphore, #tpu.memory_space<semaphore_mem>>)
        %dma_wait3A_168 = arith.constant 0 : i32
        %dma_wait3A_169 = arith.constant 0 : i32
        %dma_wait3A_170 = tpu.memref_slice %arg19[%dma_wait3A_168, %dma_wait3A_169] : memref<128x16xf32, #tpu.memory_space<vmem>> -> memref<128x16xf32, #tpu.memory_space<vmem>>
        %dma_wait3A_171 = arith.constant 0 : i32
        %dma_wait3A_172 = tpu.memref_slice %arg22[%add3A_139, %dma_wait3A_171] : memref<10112x16xf32, #tpu.memory_space<vmem_shared>> -> memref<128x16xf32, #tpu.memory_space<vmem_shared>>
        %dma_wait3A_173 = arith.constant 0 : i32
        %dma_wait3A_174 = arith.constant 0 : i32
        %dma_wait3A_175 = tpu.memref_slice %arg19[%dma_wait3A_173, %dma_wait3A_174] : memref<128x16xf32, #tpu.memory_space<vmem>> -> memref<128x16xf32, #tpu.memory_space<vmem>>
        %dma_wait3A_176 = arith.constant 0 : i32
        %dma_wait3A_177 = tpu.memref_slice %arg22[%add3A_139, %dma_wait3A_176] : memref<10112x16xf32, #tpu.memory_space<vmem_shared>> -> memref<128x16xf32, #tpu.memory_space<vmem_shared>>
        tpu.wait_dma2 semaphore(%run_scoped3A : memref<!tpu.dma_semaphore, #tpu.memory_space<semaphore_mem>>) src(%dma_wait3A_177 : memref<128x16xf32, #tpu.memory_space<vmem_shared>>) dst(%dma_wait3A_175 : memref<128x16xf32, #tpu.memory_space<vmem>>)
        tpu.yield
      }) : () -> ()
      %add3A_140 = arith.constant 0 : i32
      %add3A_141 = arith.addi %mul3A_7, %add3A_140 : i32
      "tpu.region"() ({
        %run_scoped3A = tpu.sem_alloc : memref<!tpu.dma_semaphore, #tpu.memory_space<semaphore_mem>>
        %dma_start3A_158 = arith.constant 0 : i32
        %dma_start3A_159 = arith.constant 0 : i32
        %dma_start3A_160 = tpu.memref_slice %arg19[%dma_start3A_158, %dma_start3A_159] : memref<128x16xf32, #tpu.memory_space<vmem>> -> memref<128x16xf32, #tpu.memory_space<vmem>>
        %dma_start3A_161 = arith.constant 0 : i32
        %dma_start3A_162 = tpu.memref_slice %arg8[%add3A_141, %dma_start3A_161] : memref<10112x16xf32, #tpu.memory_space<hbm>> -> memref<128x16xf32, #tpu.memory_space<hbm>>
        %dma_start3A_163 = arith.constant 0 : i32
        %dma_start3A_164 = tpu.memref_slice %arg8[%add3A_141, %dma_start3A_163] : memref<10112x16xf32, #tpu.memory_space<hbm>> -> memref<128x16xf32, #tpu.memory_space<hbm>>
        %dma_start3A_165 = arith.constant 0 : i32
        %dma_start3A_166 = arith.constant 0 : i32
        %dma_start3A_167 = tpu.memref_slice %arg19[%dma_start3A_165, %dma_start3A_166] : memref<128x16xf32, #tpu.memory_space<vmem>> -> memref<128x16xf32, #tpu.memory_space<vmem>>
        tpu.enqueue_dma source(%dma_start3A_167 : memref<128x16xf32, #tpu.memory_space<vmem>>) target(%dma_start3A_164 : memref<128x16xf32, #tpu.memory_space<hbm>>) target_semaphore(%run_scoped3A : memref<!tpu.dma_semaphore, #tpu.memory_space<semaphore_mem>>)
        %dma_wait3A_168 = arith.constant 0 : i32
        %dma_wait3A_169 = arith.constant 0 : i32
        %dma_wait3A_170 = tpu.memref_slice %arg19[%dma_wait3A_168, %dma_wait3A_169] : memref<128x16xf32, #tpu.memory_space<vmem>> -> memref<128x16xf32, #tpu.memory_space<vmem>>
        %dma_wait3A_171 = arith.constant 0 : i32
        %dma_wait3A_172 = tpu.memref_slice %arg8[%add3A_141, %dma_wait3A_171] : memref<10112x16xf32, #tpu.memory_space<hbm>> -> memref<128x16xf32, #tpu.memory_space<hbm>>
        %dma_wait3A_173 = arith.constant 0 : i32
        %dma_wait3A_174 = tpu.memref_slice %arg8[%add3A_141, %dma_wait3A_173] : memref<10112x16xf32, #tpu.memory_space<hbm>> -> memref<128x16xf32, #tpu.memory_space<hbm>>
        %dma_wait3A_175 = arith.constant 0 : i32
        %dma_wait3A_176 = arith.constant 0 : i32
        %dma_wait3A_177 = tpu.memref_slice %arg19[%dma_wait3A_175, %dma_wait3A_176] : memref<128x16xf32, #tpu.memory_space<vmem>> -> memref<128x16xf32, #tpu.memory_space<vmem>>
        tpu.wait_dma2 semaphore(%run_scoped3A : memref<!tpu.dma_semaphore, #tpu.memory_space<semaphore_mem>>) src(%dma_wait3A_177 : memref<128x16xf32, #tpu.memory_space<vmem>>) dst(%dma_wait3A_174 : memref<128x16xf32, #tpu.memory_space<hbm>>)
        tpu.yield
      }) : () -> ()
      %add3A_142 = arith.constant 128 : i32
      %add3A_143 = arith.addi %mul3A_7, %add3A_142 : i32
      "tpu.region"() ({
        %run_scoped3A = tpu.sem_alloc : memref<!tpu.dma_semaphore, #tpu.memory_space<semaphore_mem>>
        %dma_start3A_158 = arith.constant 0 : i32
        %dma_start3A_159 = arith.constant 0 : i32
        %dma_start3A_160 = tpu.memref_slice %arg19[%dma_start3A_158, %dma_start3A_159] : memref<128x16xf32, #tpu.memory_space<vmem>> -> memref<128x16xf32, #tpu.memory_space<vmem>>
        %dma_start3A_161 = arith.constant 0 : i32
        %dma_start3A_162 = tpu.memref_slice %arg22[%add3A_143, %dma_start3A_161] : memref<10112x16xf32, #tpu.memory_space<vmem_shared>> -> memref<128x16xf32, #tpu.memory_space<vmem_shared>>
        %dma_start3A_163 = arith.constant 0 : i32
        %dma_start3A_164 = arith.constant 0 : i32
        %dma_start3A_165 = tpu.memref_slice %arg19[%dma_start3A_163, %dma_start3A_164] : memref<128x16xf32, #tpu.memory_space<vmem>> -> memref<128x16xf32, #tpu.memory_space<vmem>>
        %dma_start3A_166 = arith.constant 0 : i32
        %dma_start3A_167 = tpu.memref_slice %arg22[%add3A_143, %dma_start3A_166] : memref<10112x16xf32, #tpu.memory_space<vmem_shared>> -> memref<128x16xf32, #tpu.memory_space<vmem_shared>>
        tpu.enqueue_dma source(%dma_start3A_167 : memref<128x16xf32, #tpu.memory_space<vmem_shared>>) target(%dma_start3A_165 : memref<128x16xf32, #tpu.memory_space<vmem>>) target_semaphore(%run_scoped3A : memref<!tpu.dma_semaphore, #tpu.memory_space<semaphore_mem>>)
        %dma_wait3A_168 = arith.constant 0 : i32
        %dma_wait3A_169 = arith.constant 0 : i32
        %dma_wait3A_170 = tpu.memref_slice %arg19[%dma_wait3A_168, %dma_wait3A_169] : memref<128x16xf32, #tpu.memory_space<vmem>> -> memref<128x16xf32, #tpu.memory_space<vmem>>
        %dma_wait3A_171 = arith.constant 0 : i32
        %dma_wait3A_172 = tpu.memref_slice %arg22[%add3A_143, %dma_wait3A_171] : memref<10112x16xf32, #tpu.memory_space<vmem_shared>> -> memref<128x16xf32, #tpu.memory_space<vmem_shared>>
        %dma_wait3A_173 = arith.constant 0 : i32
        %dma_wait3A_174 = arith.constant 0 : i32
        %dma_wait3A_175 = tpu.memref_slice %arg19[%dma_wait3A_173, %dma_wait3A_174] : memref<128x16xf32, #tpu.memory_space<vmem>> -> memref<128x16xf32, #tpu.memory_space<vmem>>
        %dma_wait3A_176 = arith.constant 0 : i32
        %dma_wait3A_177 = tpu.memref_slice %arg22[%add3A_143, %dma_wait3A_176] : memref<10112x16xf32, #tpu.memory_space<vmem_shared>> -> memref<128x16xf32, #tpu.memory_space<vmem_shared>>
        tpu.wait_dma2 semaphore(%run_scoped3A : memref<!tpu.dma_semaphore, #tpu.memory_space<semaphore_mem>>) src(%dma_wait3A_177 : memref<128x16xf32, #tpu.memory_space<vmem_shared>>) dst(%dma_wait3A_175 : memref<128x16xf32, #tpu.memory_space<vmem>>)
        tpu.yield
      }) : () -> ()
      %add3A_144 = arith.constant 128 : i32
      %add3A_145 = arith.addi %mul3A_7, %add3A_144 : i32
      "tpu.region"() ({
        %run_scoped3A = tpu.sem_alloc : memref<!tpu.dma_semaphore, #tpu.memory_space<semaphore_mem>>
        %dma_start3A_158 = arith.constant 0 : i32
        %dma_start3A_159 = arith.constant 0 : i32
        %dma_start3A_160 = tpu.memref_slice %arg19[%dma_start3A_158, %dma_start3A_159] : memref<128x16xf32, #tpu.memory_space<vmem>> -> memref<128x16xf32, #tpu.memory_space<vmem>>
        %dma_start3A_161 = arith.constant 0 : i32
        %dma_start3A_162 = tpu.memref_slice %arg8[%add3A_145, %dma_start3A_161] : memref<10112x16xf32, #tpu.memory_space<hbm>> -> memref<128x16xf32, #tpu.memory_space<hbm>>
        %dma_start3A_163 = arith.constant 0 : i32
        %dma_start3A_164 = tpu.memref_slice %arg8[%add3A_145, %dma_start3A_163] : memref<10112x16xf32, #tpu.memory_space<hbm>> -> memref<128x16xf32, #tpu.memory_space<hbm>>
        %dma_start3A_165 = arith.constant 0 : i32
        %dma_start3A_166 = arith.constant 0 : i32
        %dma_start3A_167 = tpu.memref_slice %arg19[%dma_start3A_165, %dma_start3A_166] : memref<128x16xf32, #tpu.memory_space<vmem>> -> memref<128x16xf32, #tpu.memory_space<vmem>>
        tpu.enqueue_dma source(%dma_start3A_167 : memref<128x16xf32, #tpu.memory_space<vmem>>) target(%dma_start3A_164 : memref<128x16xf32, #tpu.memory_space<hbm>>) target_semaphore(%run_scoped3A : memref<!tpu.dma_semaphore, #tpu.memory_space<semaphore_mem>>)
        %dma_wait3A_168 = arith.constant 0 : i32
        %dma_wait3A_169 = arith.constant 0 : i32
        %dma_wait3A_170 = tpu.memref_slice %arg19[%dma_wait3A_168, %dma_wait3A_169] : memref<128x16xf32, #tpu.memory_space<vmem>> -> memref<128x16xf32, #tpu.memory_space<vmem>>
        %dma_wait3A_171 = arith.constant 0 : i32
        %dma_wait3A_172 = tpu.memref_slice %arg8[%add3A_145, %dma_wait3A_171] : memref<10112x16xf32, #tpu.memory_space<hbm>> -> memref<128x16xf32, #tpu.memory_space<hbm>>
        %dma_wait3A_173 = arith.constant 0 : i32
        %dma_wait3A_174 = tpu.memref_slice %arg8[%add3A_145, %dma_wait3A_173] : memref<10112x16xf32, #tpu.memory_space<hbm>> -> memref<128x16xf32, #tpu.memory_space<hbm>>
        %dma_wait3A_175 = arith.constant 0 : i32
        %dma_wait3A_176 = arith.constant 0 : i32
        %dma_wait3A_177 = tpu.memref_slice %arg19[%dma_wait3A_175, %dma_wait3A_176] : memref<128x16xf32, #tpu.memory_space<vmem>> -> memref<128x16xf32, #tpu.memory_space<vmem>>
        tpu.wait_dma2 semaphore(%run_scoped3A : memref<!tpu.dma_semaphore, #tpu.memory_space<semaphore_mem>>) src(%dma_wait3A_177 : memref<128x16xf32, #tpu.memory_space<vmem>>) dst(%dma_wait3A_174 : memref<128x16xf32, #tpu.memory_space<hbm>>)
        tpu.yield
      }) : () -> ()
      %add3A_146 = arith.constant 256 : i32
      %add3A_147 = arith.addi %mul3A_7, %add3A_146 : i32
      "tpu.region"() ({
        %run_scoped3A = tpu.sem_alloc : memref<!tpu.dma_semaphore, #tpu.memory_space<semaphore_mem>>
        %dma_start3A_158 = arith.constant 0 : i32
        %dma_start3A_159 = arith.constant 0 : i32
        %dma_start3A_160 = tpu.memref_slice %arg19[%dma_start3A_158, %dma_start3A_159] : memref<128x16xf32, #tpu.memory_space<vmem>> -> memref<128x16xf32, #tpu.memory_space<vmem>>
        %dma_start3A_161 = arith.constant 0 : i32
        %dma_start3A_162 = tpu.memref_slice %arg22[%add3A_147, %dma_start3A_161] : memref<10112x16xf32, #tpu.memory_space<vmem_shared>> -> memref<128x16xf32, #tpu.memory_space<vmem_shared>>
        %dma_start3A_163 = arith.constant 0 : i32
        %dma_start3A_164 = arith.constant 0 : i32
        %dma_start3A_165 = tpu.memref_slice %arg19[%dma_start3A_163, %dma_start3A_164] : memref<128x16xf32, #tpu.memory_space<vmem>> -> memref<128x16xf32, #tpu.memory_space<vmem>>
        %dma_start3A_166 = arith.constant 0 : i32
        %dma_start3A_167 = tpu.memref_slice %arg22[%add3A_147, %dma_start3A_166] : memref<10112x16xf32, #tpu.memory_space<vmem_shared>> -> memref<128x16xf32, #tpu.memory_space<vmem_shared>>
        tpu.enqueue_dma source(%dma_start3A_167 : memref<128x16xf32, #tpu.memory_space<vmem_shared>>) target(%dma_start3A_165 : memref<128x16xf32, #tpu.memory_space<vmem>>) target_semaphore(%run_scoped3A : memref<!tpu.dma_semaphore, #tpu.memory_space<semaphore_mem>>)
        %dma_wait3A_168 = arith.constant 0 : i32
        %dma_wait3A_169 = arith.constant 0 : i32
        %dma_wait3A_170 = tpu.memref_slice %arg19[%dma_wait3A_168, %dma_wait3A_169] : memref<128x16xf32, #tpu.memory_space<vmem>> -> memref<128x16xf32, #tpu.memory_space<vmem>>
        %dma_wait3A_171 = arith.constant 0 : i32
        %dma_wait3A_172 = tpu.memref_slice %arg22[%add3A_147, %dma_wait3A_171] : memref<10112x16xf32, #tpu.memory_space<vmem_shared>> -> memref<128x16xf32, #tpu.memory_space<vmem_shared>>
        %dma_wait3A_173 = arith.constant 0 : i32
        %dma_wait3A_174 = arith.constant 0 : i32
        %dma_wait3A_175 = tpu.memref_slice %arg19[%dma_wait3A_173, %dma_wait3A_174] : memref<128x16xf32, #tpu.memory_space<vmem>> -> memref<128x16xf32, #tpu.memory_space<vmem>>
        %dma_wait3A_176 = arith.constant 0 : i32
        %dma_wait3A_177 = tpu.memref_slice %arg22[%add3A_147, %dma_wait3A_176] : memref<10112x16xf32, #tpu.memory_space<vmem_shared>> -> memref<128x16xf32, #tpu.memory_space<vmem_shared>>
        tpu.wait_dma2 semaphore(%run_scoped3A : memref<!tpu.dma_semaphore, #tpu.memory_space<semaphore_mem>>) src(%dma_wait3A_177 : memref<128x16xf32, #tpu.memory_space<vmem_shared>>) dst(%dma_wait3A_175 : memref<128x16xf32, #tpu.memory_space<vmem>>)
        tpu.yield
      }) : () -> ()
      %add3A_148 = arith.constant 256 : i32
      %add3A_149 = arith.addi %mul3A_7, %add3A_148 : i32
      "tpu.region"() ({
        %run_scoped3A = tpu.sem_alloc : memref<!tpu.dma_semaphore, #tpu.memory_space<semaphore_mem>>
        %dma_start3A_158 = arith.constant 0 : i32
        %dma_start3A_159 = arith.constant 0 : i32
        %dma_start3A_160 = tpu.memref_slice %arg19[%dma_start3A_158, %dma_start3A_159] : memref<128x16xf32, #tpu.memory_space<vmem>> -> memref<128x16xf32, #tpu.memory_space<vmem>>
        %dma_start3A_161 = arith.constant 0 : i32
        %dma_start3A_162 = tpu.memref_slice %arg8[%add3A_149, %dma_start3A_161] : memref<10112x16xf32, #tpu.memory_space<hbm>> -> memref<128x16xf32, #tpu.memory_space<hbm>>
        %dma_start3A_163 = arith.constant 0 : i32
        %dma_start3A_164 = tpu.memref_slice %arg8[%add3A_149, %dma_start3A_163] : memref<10112x16xf32, #tpu.memory_space<hbm>> -> memref<128x16xf32, #tpu.memory_space<hbm>>
        %dma_start3A_165 = arith.constant 0 : i32
        %dma_start3A_166 = arith.constant 0 : i32
        %dma_start3A_167 = tpu.memref_slice %arg19[%dma_start3A_165, %dma_start3A_166] : memref<128x16xf32, #tpu.memory_space<vmem>> -> memref<128x16xf32, #tpu.memory_space<vmem>>
        tpu.enqueue_dma source(%dma_start3A_167 : memref<128x16xf32, #tpu.memory_space<vmem>>) target(%dma_start3A_164 : memref<128x16xf32, #tpu.memory_space<hbm>>) target_semaphore(%run_scoped3A : memref<!tpu.dma_semaphore, #tpu.memory_space<semaphore_mem>>)
        %dma_wait3A_168 = arith.constant 0 : i32
        %dma_wait3A_169 = arith.constant 0 : i32
        %dma_wait3A_170 = tpu.memref_slice %arg19[%dma_wait3A_168, %dma_wait3A_169] : memref<128x16xf32, #tpu.memory_space<vmem>> -> memref<128x16xf32, #tpu.memory_space<vmem>>
        %dma_wait3A_171 = arith.constant 0 : i32
        %dma_wait3A_172 = tpu.memref_slice %arg8[%add3A_149, %dma_wait3A_171] : memref<10112x16xf32, #tpu.memory_space<hbm>> -> memref<128x16xf32, #tpu.memory_space<hbm>>
        %dma_wait3A_173 = arith.constant 0 : i32
        %dma_wait3A_174 = tpu.memref_slice %arg8[%add3A_149, %dma_wait3A_173] : memref<10112x16xf32, #tpu.memory_space<hbm>> -> memref<128x16xf32, #tpu.memory_space<hbm>>
        %dma_wait3A_175 = arith.constant 0 : i32
        %dma_wait3A_176 = arith.constant 0 : i32
        %dma_wait3A_177 = tpu.memref_slice %arg19[%dma_wait3A_175, %dma_wait3A_176] : memref<128x16xf32, #tpu.memory_space<vmem>> -> memref<128x16xf32, #tpu.memory_space<vmem>>
        tpu.wait_dma2 semaphore(%run_scoped3A : memref<!tpu.dma_semaphore, #tpu.memory_space<semaphore_mem>>) src(%dma_wait3A_177 : memref<128x16xf32, #tpu.memory_space<vmem>>) dst(%dma_wait3A_174 : memref<128x16xf32, #tpu.memory_space<hbm>>)
        tpu.yield
      }) : () -> ()
      %add3A_150 = arith.constant 384 : i32
      %add3A_151 = arith.addi %mul3A_7, %add3A_150 : i32
      "tpu.region"() ({
        %run_scoped3A = tpu.sem_alloc : memref<!tpu.dma_semaphore, #tpu.memory_space<semaphore_mem>>
        %dma_start3A_158 = arith.constant 0 : i32
        %dma_start3A_159 = arith.constant 0 : i32
        %dma_start3A_160 = tpu.memref_slice %arg19[%dma_start3A_158, %dma_start3A_159] : memref<128x16xf32, #tpu.memory_space<vmem>> -> memref<128x16xf32, #tpu.memory_space<vmem>>
        %dma_start3A_161 = arith.constant 0 : i32
        %dma_start3A_162 = tpu.memref_slice %arg22[%add3A_151, %dma_start3A_161] : memref<10112x16xf32, #tpu.memory_space<vmem_shared>> -> memref<128x16xf32, #tpu.memory_space<vmem_shared>>
        %dma_start3A_163 = arith.constant 0 : i32
        %dma_start3A_164 = arith.constant 0 : i32
        %dma_start3A_165 = tpu.memref_slice %arg19[%dma_start3A_163, %dma_start3A_164] : memref<128x16xf32, #tpu.memory_space<vmem>> -> memref<128x16xf32, #tpu.memory_space<vmem>>
        %dma_start3A_166 = arith.constant 0 : i32
        %dma_start3A_167 = tpu.memref_slice %arg22[%add3A_151, %dma_start3A_166] : memref<10112x16xf32, #tpu.memory_space<vmem_shared>> -> memref<128x16xf32, #tpu.memory_space<vmem_shared>>
        tpu.enqueue_dma source(%dma_start3A_167 : memref<128x16xf32, #tpu.memory_space<vmem_shared>>) target(%dma_start3A_165 : memref<128x16xf32, #tpu.memory_space<vmem>>) target_semaphore(%run_scoped3A : memref<!tpu.dma_semaphore, #tpu.memory_space<semaphore_mem>>)
        %dma_wait3A_168 = arith.constant 0 : i32
        %dma_wait3A_169 = arith.constant 0 : i32
        %dma_wait3A_170 = tpu.memref_slice %arg19[%dma_wait3A_168, %dma_wait3A_169] : memref<128x16xf32, #tpu.memory_space<vmem>> -> memref<128x16xf32, #tpu.memory_space<vmem>>
        %dma_wait3A_171 = arith.constant 0 : i32
        %dma_wait3A_172 = tpu.memref_slice %arg22[%add3A_151, %dma_wait3A_171] : memref<10112x16xf32, #tpu.memory_space<vmem_shared>> -> memref<128x16xf32, #tpu.memory_space<vmem_shared>>
        %dma_wait3A_173 = arith.constant 0 : i32
        %dma_wait3A_174 = arith.constant 0 : i32
        %dma_wait3A_175 = tpu.memref_slice %arg19[%dma_wait3A_173, %dma_wait3A_174] : memref<128x16xf32, #tpu.memory_space<vmem>> -> memref<128x16xf32, #tpu.memory_space<vmem>>
        %dma_wait3A_176 = arith.constant 0 : i32
        %dma_wait3A_177 = tpu.memref_slice %arg22[%add3A_151, %dma_wait3A_176] : memref<10112x16xf32, #tpu.memory_space<vmem_shared>> -> memref<128x16xf32, #tpu.memory_space<vmem_shared>>
        tpu.wait_dma2 semaphore(%run_scoped3A : memref<!tpu.dma_semaphore, #tpu.memory_space<semaphore_mem>>) src(%dma_wait3A_177 : memref<128x16xf32, #tpu.memory_space<vmem_shared>>) dst(%dma_wait3A_175 : memref<128x16xf32, #tpu.memory_space<vmem>>)
        tpu.yield
      }) : () -> ()
      %add3A_152 = arith.constant 384 : i32
      %add3A_153 = arith.addi %mul3A_7, %add3A_152 : i32
      "tpu.region"() ({
        %run_scoped3A = tpu.sem_alloc : memref<!tpu.dma_semaphore, #tpu.memory_space<semaphore_mem>>
        %dma_start3A_158 = arith.constant 0 : i32
        %dma_start3A_159 = arith.constant 0 : i32
        %dma_start3A_160 = tpu.memref_slice %arg19[%dma_start3A_158, %dma_start3A_159] : memref<128x16xf32, #tpu.memory_space<vmem>> -> memref<128x16xf32, #tpu.memory_space<vmem>>
        %dma_start3A_161 = arith.constant 0 : i32
        %dma_start3A_162 = tpu.memref_slice %arg8[%add3A_153, %dma_start3A_161] : memref<10112x16xf32, #tpu.memory_space<hbm>> -> memref<128x16xf32, #tpu.memory_space<hbm>>
        %dma_start3A_163 = arith.constant 0 : i32
        %dma_start3A_164 = tpu.memref_slice %arg8[%add3A_153, %dma_start3A_163] : memref<10112x16xf32, #tpu.memory_space<hbm>> -> memref<128x16xf32, #tpu.memory_space<hbm>>
        %dma_start3A_165 = arith.constant 0 : i32
        %dma_start3A_166 = arith.constant 0 : i32
        %dma_start3A_167 = tpu.memref_slice %arg19[%dma_start3A_165, %dma_start3A_166] : memref<128x16xf32, #tpu.memory_space<vmem>> -> memref<128x16xf32, #tpu.memory_space<vmem>>
        tpu.enqueue_dma source(%dma_start3A_167 : memref<128x16xf32, #tpu.memory_space<vmem>>) target(%dma_start3A_164 : memref<128x16xf32, #tpu.memory_space<hbm>>) target_semaphore(%run_scoped3A : memref<!tpu.dma_semaphore, #tpu.memory_space<semaphore_mem>>)
        %dma_wait3A_168 = arith.constant 0 : i32
        %dma_wait3A_169 = arith.constant 0 : i32
        %dma_wait3A_170 = tpu.memref_slice %arg19[%dma_wait3A_168, %dma_wait3A_169] : memref<128x16xf32, #tpu.memory_space<vmem>> -> memref<128x16xf32, #tpu.memory_space<vmem>>
        %dma_wait3A_171 = arith.constant 0 : i32
        %dma_wait3A_172 = tpu.memref_slice %arg8[%add3A_153, %dma_wait3A_171] : memref<10112x16xf32, #tpu.memory_space<hbm>> -> memref<128x16xf32, #tpu.memory_space<hbm>>
        %dma_wait3A_173 = arith.constant 0 : i32
        %dma_wait3A_174 = tpu.memref_slice %arg8[%add3A_153, %dma_wait3A_173] : memref<10112x16xf32, #tpu.memory_space<hbm>> -> memref<128x16xf32, #tpu.memory_space<hbm>>
        %dma_wait3A_175 = arith.constant 0 : i32
        %dma_wait3A_176 = arith.constant 0 : i32
        %dma_wait3A_177 = tpu.memref_slice %arg19[%dma_wait3A_175, %dma_wait3A_176] : memref<128x16xf32, #tpu.memory_space<vmem>> -> memref<128x16xf32, #tpu.memory_space<vmem>>
        tpu.wait_dma2 semaphore(%run_scoped3A : memref<!tpu.dma_semaphore, #tpu.memory_space<semaphore_mem>>) src(%dma_wait3A_177 : memref<128x16xf32, #tpu.memory_space<vmem>>) dst(%dma_wait3A_174 : memref<128x16xf32, #tpu.memory_space<hbm>>)
        tpu.yield
      }) : () -> ()
      %add3A_154 = arith.constant 512 : i32
      %add3A_155 = arith.addi %mul3A_7, %add3A_154 : i32
      "tpu.region"() ({
        %run_scoped3A = tpu.sem_alloc : memref<!tpu.dma_semaphore, #tpu.memory_space<semaphore_mem>>
        %dma_start3A_158 = arith.constant 0 : i32
        %dma_start3A_159 = arith.constant 0 : i32
        %dma_start3A_160 = tpu.memref_slice %arg19[%dma_start3A_158, %dma_start3A_159] : memref<128x16xf32, #tpu.memory_space<vmem>> -> memref<120x16xf32, #tpu.memory_space<vmem>>
        %dma_start3A_161 = arith.constant 0 : i32
        %dma_start3A_162 = tpu.memref_slice %arg22[%add3A_155, %dma_start3A_161] : memref<10112x16xf32, #tpu.memory_space<vmem_shared>> -> memref<120x16xf32, #tpu.memory_space<vmem_shared>>
        %dma_start3A_163 = arith.constant 0 : i32
        %dma_start3A_164 = arith.constant 0 : i32
        %dma_start3A_165 = tpu.memref_slice %arg19[%dma_start3A_163, %dma_start3A_164] : memref<128x16xf32, #tpu.memory_space<vmem>> -> memref<120x16xf32, #tpu.memory_space<vmem>>
        %dma_start3A_166 = arith.constant 0 : i32
        %dma_start3A_167 = tpu.memref_slice %arg22[%add3A_155, %dma_start3A_166] : memref<10112x16xf32, #tpu.memory_space<vmem_shared>> -> memref<120x16xf32, #tpu.memory_space<vmem_shared>>
        tpu.enqueue_dma source(%dma_start3A_167 : memref<120x16xf32, #tpu.memory_space<vmem_shared>>) target(%dma_start3A_165 : memref<120x16xf32, #tpu.memory_space<vmem>>) target_semaphore(%run_scoped3A : memref<!tpu.dma_semaphore, #tpu.memory_space<semaphore_mem>>)
        %dma_wait3A_168 = arith.constant 0 : i32
        %dma_wait3A_169 = arith.constant 0 : i32
        %dma_wait3A_170 = tpu.memref_slice %arg19[%dma_wait3A_168, %dma_wait3A_169] : memref<128x16xf32, #tpu.memory_space<vmem>> -> memref<120x16xf32, #tpu.memory_space<vmem>>
        %dma_wait3A_171 = arith.constant 0 : i32
        %dma_wait3A_172 = tpu.memref_slice %arg22[%add3A_155, %dma_wait3A_171] : memref<10112x16xf32, #tpu.memory_space<vmem_shared>> -> memref<120x16xf32, #tpu.memory_space<vmem_shared>>
        %dma_wait3A_173 = arith.constant 0 : i32
        %dma_wait3A_174 = arith.constant 0 : i32
        %dma_wait3A_175 = tpu.memref_slice %arg19[%dma_wait3A_173, %dma_wait3A_174] : memref<128x16xf32, #tpu.memory_space<vmem>> -> memref<120x16xf32, #tpu.memory_space<vmem>>
        %dma_wait3A_176 = arith.constant 0 : i32
        %dma_wait3A_177 = tpu.memref_slice %arg22[%add3A_155, %dma_wait3A_176] : memref<10112x16xf32, #tpu.memory_space<vmem_shared>> -> memref<120x16xf32, #tpu.memory_space<vmem_shared>>
        tpu.wait_dma2 semaphore(%run_scoped3A : memref<!tpu.dma_semaphore, #tpu.memory_space<semaphore_mem>>) src(%dma_wait3A_177 : memref<120x16xf32, #tpu.memory_space<vmem_shared>>) dst(%dma_wait3A_175 : memref<120x16xf32, #tpu.memory_space<vmem>>)
        tpu.yield
      }) : () -> ()
      %add3A_156 = arith.constant 512 : i32
      %add3A_157 = arith.addi %mul3A_7, %add3A_156 : i32
      "tpu.region"() ({
        %run_scoped3A = tpu.sem_alloc : memref<!tpu.dma_semaphore, #tpu.memory_space<semaphore_mem>>
        %dma_start3A_158 = arith.constant 0 : i32
        %dma_start3A_159 = arith.constant 0 : i32
        %dma_start3A_160 = tpu.memref_slice %arg19[%dma_start3A_158, %dma_start3A_159] : memref<128x16xf32, #tpu.memory_space<vmem>> -> memref<120x16xf32, #tpu.memory_space<vmem>>
        %dma_start3A_161 = arith.constant 0 : i32
        %dma_start3A_162 = tpu.memref_slice %arg8[%add3A_157, %dma_start3A_161] : memref<10112x16xf32, #tpu.memory_space<hbm>> -> memref<120x16xf32, #tpu.memory_space<hbm>>
        %dma_start3A_163 = arith.constant 0 : i32
        %dma_start3A_164 = tpu.memref_slice %arg8[%add3A_157, %dma_start3A_163] : memref<10112x16xf32, #tpu.memory_space<hbm>> -> memref<120x16xf32, #tpu.memory_space<hbm>>
        %dma_start3A_165 = arith.constant 0 : i32
        %dma_start3A_166 = arith.constant 0 : i32
        %dma_start3A_167 = tpu.memref_slice %arg19[%dma_start3A_165, %dma_start3A_166] : memref<128x16xf32, #tpu.memory_space<vmem>> -> memref<120x16xf32, #tpu.memory_space<vmem>>
        tpu.enqueue_dma source(%dma_start3A_167 : memref<120x16xf32, #tpu.memory_space<vmem>>) target(%dma_start3A_164 : memref<120x16xf32, #tpu.memory_space<hbm>>) target_semaphore(%run_scoped3A : memref<!tpu.dma_semaphore, #tpu.memory_space<semaphore_mem>>)
        %dma_wait3A_168 = arith.constant 0 : i32
        %dma_wait3A_169 = arith.constant 0 : i32
        %dma_wait3A_170 = tpu.memref_slice %arg19[%dma_wait3A_168, %dma_wait3A_169] : memref<128x16xf32, #tpu.memory_space<vmem>> -> memref<120x16xf32, #tpu.memory_space<vmem>>
        %dma_wait3A_171 = arith.constant 0 : i32
        %dma_wait3A_172 = tpu.memref_slice %arg8[%add3A_157, %dma_wait3A_171] : memref<10112x16xf32, #tpu.memory_space<hbm>> -> memref<120x16xf32, #tpu.memory_space<hbm>>
        %dma_wait3A_173 = arith.constant 0 : i32
        %dma_wait3A_174 = tpu.memref_slice %arg8[%add3A_157, %dma_wait3A_173] : memref<10112x16xf32, #tpu.memory_space<hbm>> -> memref<120x16xf32, #tpu.memory_space<hbm>>
        %dma_wait3A_175 = arith.constant 0 : i32
        %dma_wait3A_176 = arith.constant 0 : i32
        %dma_wait3A_177 = tpu.memref_slice %arg19[%dma_wait3A_175, %dma_wait3A_176] : memref<128x16xf32, #tpu.memory_space<vmem>> -> memref<120x16xf32, #tpu.memory_space<vmem>>
        tpu.wait_dma2 semaphore(%run_scoped3A : memref<!tpu.dma_semaphore, #tpu.memory_space<semaphore_mem>>) src(%dma_wait3A_177 : memref<120x16xf32, #tpu.memory_space<vmem>>) dst(%dma_wait3A_174 : memref<120x16xf32, #tpu.memory_space<hbm>>)
        tpu.yield
      }) : () -> ()
    } else {
    }
    return
  }
}

module attributes {stable_mosaic.version = 14 : i64} {
  func.func @_combine_body(%arg0: i32, %arg1: memref<2x1000x64xf32, #tpu.memory_space<vmem>>, %arg2: memref<1x1000x16xf32, #tpu.memory_space<vmem>>, %arg3: memref<1000x128xf32, #tpu.memory_space<vmem>>) attributes {dimension_semantics = [#tpu.dimension_semantics<arbitrary>], iteration_bounds = array<i64: 10>, scalar_prefetch = 0 : i64, scratch_operands = 0 : i64, tpu.core_type = #tpu.core_type<tc>, window_params = [{transform_indices = @transform_0, window_bounds = array<i64: 2, 1000, 64>}, {transform_indices = @transform_1, window_bounds = array<i64: 1, 1000, 16>}, {transform_indices = @transform_2, window_bounds = array<i64: 1000, 128>}]} {
    %get3A = arith.constant 0 : index
    %get3A_0 = arith.constant 0 : index
    %get3A_1 = arith.constant 0 : index
    %get3A_2 = vector.load %arg1[%get3A, %get3A_0, %get3A_1] : memref<2x1000x64xf32, #tpu.memory_space<vmem>>, vector<2x1000x64xf32>
    %get3A_3 = arith.constant 0 : index
    %get3A_4 = arith.constant 0 : index
    %get3A_5 = arith.constant 0 : index
    %get3A_6 = vector.load %arg2[%get3A_3, %get3A_4, %get3A_5] : memref<1x1000x16xf32, #tpu.memory_space<vmem>>, vector<1x1000x1xf32>
    %get3A_7 = vector.shape_cast %get3A_6 : vector<1x1000x1xf32> to vector<1000x1xf32>
    %max3A = arith.constant 1.000000e+00 : f32
    %max3A_8 = vector.broadcast %max3A : f32 to vector<1000x1xf32>
    %max3A_9 = arith.maximumf %get3A_7, %max3A_8 : vector<1000x1xf32>
    %slice3A = vector.extract_strided_slice %get3A_2 {offsets = [0, 0, 0], sizes = [1, 1000, 64], strides = [1, 1, 1]} : vector<2x1000x64xf32> to vector<1x1000x64xf32>
    %squeeze3A = vector.shape_cast %slice3A : vector<1x1000x64xf32> to vector<1000x64xf32>
    %slice3A_10 = vector.extract_strided_slice %get3A_2 {offsets = [1, 0, 0], sizes = [1, 1000, 64], strides = [1, 1, 1]} : vector<2x1000x64xf32> to vector<1x1000x64xf32>
    %squeeze3A_11 = vector.shape_cast %slice3A_10 : vector<1x1000x64xf32> to vector<1000x64xf32>
    %concatenate3A = tpu.concatenate %squeeze3A, %squeeze3A_11 in 1 : vector<1000x64xf32>, vector<1000x64xf32> -> vector<1000x128xf32>
    %div3A = vector.broadcast %max3A_9 : vector<1000x1xf32> to vector<1000x128xf32>
    %div3A_12 = arith.divf %concatenate3A, %div3A : vector<1000x128xf32>
    %swap3A = arith.constant 0 : index
    %swap3A_13 = arith.constant 0 : index
    %swap3A_14 = vector.load %arg3[%swap3A, %swap3A_13] : memref<1000x128xf32, #tpu.memory_space<vmem>>, vector<1000x128xf32>
    tpu.vector_store %arg3[%swap3A, %swap3A_13], %div3A_12 {strides = array<i32>} : memref<1000x128xf32, #tpu.memory_space<vmem>>, vector<1000x128xf32>,
    return
  }
  func.func @transform_0(%arg0: i32) -> (i32, i32, i32) {
    %c0_i32 = arith.constant 0 : i32
    %c0_i32_0 = arith.constant 0 : i32
    %c0_i32_1 = arith.constant 0 : i32
    return %c0_i32, %arg0, %c0_i32_0 : i32, i32, i32
  }
  func.func @transform_1(%arg0: i32) -> (i32, i32, i32) {
    %c0_i32 = arith.constant 0 : i32
    %c0_i32_0 = arith.constant 0 : i32
    %c0_i32_1 = arith.constant 0 : i32
    return %c0_i32, %arg0, %c0_i32_0 : i32, i32, i32
  }
  func.func @transform_2(%arg0: i32) -> (i32, i32) {
    %c0_i32 = arith.constant 0 : i32
    %c0_i32_0 = arith.constant 0 : i32
    return %arg0, %c0_i32 : i32, i32
  }
}

</mosaic_0001>

<sc_bundles>
// kernel: kernel.4.cloned.1.call-start
scs
__scs_entry_jumppad:
0x0: {  	(pc) =	sbr.rel $0x88, $3  }
0x1: {  	(tag) =	ssettag $0x0;
	lr =	simm.s32 $0x1  }
0x2: {  	[smem:$0x3F9D] =	sst lr;
	_ =	strace $0xD0000000  }
0x3: {  	_ = 	snop  }
0x4: {  	_ = 	snop  }
0x5: {  	_ = 	snop  }
0x6: {  	_ = 	snop  }
0x7: {  	_ = 	snop  }
__scs_overlays_trampoline_lowered:
0x8: {  	[smem:$0x3FAC] =	sst s0  }
0x9: {  	[smem:$0x3FAD] =	sst s1  }
0xa: {  	[smem:$0x3FAE] =	sst s2  }
0xb: {  	[smem:$0x3FAF] =	sst s3  }
0xc: {  	[smem:$0x3FB0] =	sst s4  }
0xd: {  	[smem:$0x3FB1] =	sst s5  }
0xe: {  	[smem:$0x3FB2] =	sst s6  }
0xf: {  	[smem:$0x3FB3] =	sst s7  }
0x10: {  	[smem:$0x3FB4] =	sst s8  }
0x11: {  	[smem:$0x3FB5] =	sst s9;
	s0 =	simm.s32 @!p0 $0x0  }
0x12: {  	s1 =	sld [smem:$0x3F9B];
	s0 =	simm.s32 @p0 $0x1  }
0x13: {  	[smem:$0x3FB6] =	sst s0;
	s0 =	simm.s32 @!p1 $0x0  }
0x14: {  	s2 =	sld [smem:$0x3F9A];
	s0 =	simm.s32 @p1 $0x1  }
0x15: {  	[smem:$0x3FB7] =	sst s0;
	s0 =	simm.s32 @!p2 $0x0  }
0x16: {  	s3 =	sld [smem:$0x3FDB];
	s0 =	simm.s32 @p2 $0x1  }
0x17: {  	s4 =	simm.s32 $0x1BF5;
	[smem:$0x3FB9] =	sst s0  }
0x18: {  	s0 =	sld [smem:$0x3F9C];
	_ =	swait.ge [sflag:s4], $0x0  }
0x19: {  	s7 =	sld [smem:$0x3F9D]  }
0x1a: {  	s8 =	sadd.s32 $0xFFFFE003, lr  }
0x1b: {  	s9 =	sadd.s32 $0xFFFFFEF7, lr;
	s5 =	simm.s32 $0xFFFFFFFF;
	p2 =	slt.u32 s8, $0xFFFFF086  }
0x1c: {  	p1 =	slt.u32 s9, $0xF7A;
	s5 =	simm.s32 @!p2 $0x0  }
0x1d: {  	s5 =	simm.s32 @p1 $0x1;
	p0 =	seq.s32 s7, s2  }
0x1e: {  	s7 =	smul.u32 @!p0 $0xF7A, s2;
	p2 =	seq.s32 @!p0 s5, $0x0  }
0x1f: {  	s9 =	smul.u32 $0xF7A, s1;
	s8 =	simm.s32 @!p0 $0x1BF5;
	p2 =	por !p2, p0  }
0x20: {  	[sflag:s8] =	ssyncset.s32 @!p0 $0xFFFFF086;
	s6 =	sadd.s32 @!p0 s3, s7;
	s7 =	simm.s32 @!p0 $0x108  }
0x21: {  	s3 =	sadd.s32 s3, s9;
	s6 =	sadd.s32 @!p0 $0x88, s6;
	s7 =	simm.s32 @p2 $0x1082  }
0x22: {  	[simem:s7], [sflag:s8] =	dma.local @!p0 [hbm:s6], $0xF7A  }
0x23: {  	s9 =	sor.u32 $0xD0000000, s2;
	s6 =	simm.s32 $0x108;
	_ =	swait.ge @!p0 [sflag:s8], $0x0  }
0x24: {  	s3 =	sadd.s32 $0x88, s3;
	s6 =	simm.s32 @!p1 $0x1082;
	[sflag:s4] =	ssyncset.s32 $0xFFFFF086  }
0x25: {  	[simem:s6], [sflag:s4] =	dma.local [hbm:s3], $0xF7A  }
0x26: {  	[smem:$0x3F9D] =	sst s1;
	(tag) =	ssettag s2;
	_ =	strace s9  }
0x27: {  	s1 =	sld [smem:$0x3FAD]  }
0x28: {  	s2 =	sld [smem:$0x3FAE]  }
0x29: {  	s4 =	sld [smem:$0x3FB0]  }
0x2a: {  	p0 =	seq.s32 s5, $0x0;
	s5 =	sld [smem:$0x3FB1]  }
0x2b: {  	s6 =	sld [smem:$0x3FB2]  }
0x2c: {  	s7 =	sld [smem:$0x3FB3]  }
0x2d: {  	s3 =	simm.s32 $0x108;
	s8 =	sld [smem:$0x3FB4]  }
0x2e: {  	s3 =	simm.s32 @!p0 $0x1082;
	s9 =	sld [smem:$0x3FB5]  }
0x2f: {  	lr =	sadd.s32 s0, s3;
	s0 =	sld [smem:$0x3FAC]  }
0x30: {  	s3 =	sld [smem:$0x3FAF]  }
0x31: {  	[smem:$0x3FB8] =	sst s10  }
0x32: {  	s10 =	sld [smem:$0x3FB6];
	_ =	sdelay $0x3  }
0x33: {  	p0 =	seq.s32 s10, $0x1;
	s10 =	sld [smem:$0x3FB8];
	_ =	sdelay $0x3  }
0x34: {  	[smem:$0x3FB8] =	sst s10  }
0x35: {  	s10 =	sld [smem:$0x3FB7];
	_ =	sdelay $0x3  }
0x36: {  	p1 =	seq.s32 s10, $0x1;
	s10 =	sld [smem:$0x3FB8];
	_ =	sdelay $0x3  }
0x37: {  	[smem:$0x3FB8] =	sst s10  }
0x38: {  	s10 =	sld [smem:$0x3FB9]  }
0x39: {  	_ = 	snop;
	(pc) =	sbr.ind lr, $3  }
0x3a: {  	_ = 	snop  }
0x3b: {  	_ = 	snop  }
0x3c: {  	p2 =	seq.s32 s10, $0x1;
	s10 =	sld [smem:$0x3FB8]  }
0x3d: {  	_ =	shalt  }
0x3e: {  	_ =	shalt  }
0x3f: {  	_ =	shalt  }
0x40: {  	_ =	shalt  }
0x41: {  	_ =	shalt  }
0x42: {  	_ =	shalt  }
0x43: {  	_ =	shalt  }
0x44: {  	_ =	shalt  }
0x45: {  	_ =	shalt  }
0x46: {  	_ =	shalt  }
0x47: {  	_ =	shalt  }
0x48: {  	_ =	shalt  }
0x49: {  	_ =	shalt  }
0x4a: {  	_ =	shalt  }
0x4b: {  	_ =	shalt  }
0x4c: {  	_ =	shalt  }
0x4d: {  	_ =	shalt  }
0x4e: {  	_ =	shalt  }
0x4f: {  	_ =	shalt  }
0x50: {  	_ =	shalt  }
0x51: {  	_ =	shalt  }
0x52: {  	_ =	shalt  }
0x53: {  	_ =	shalt  }
0x54: {  	_ =	shalt  }
0x55: {  	_ =	shalt  }
0x56: {  	_ =	shalt  }
0x57: {  	_ =	shalt  }
0x58: {  	_ =	shalt  }
0x59: {  	_ =	shalt  }
0x5a: {  	_ =	shalt  }
0x5b: {  	_ =	shalt  }
0x5c: {  	_ =	shalt  }
0x5d: {  	_ =	shalt  }
0x5e: {  	_ =	shalt  }
0x5f: {  	_ =	shalt  }
0x60: {  	_ =	shalt  }
0x61: {  	_ =	shalt  }
0x62: {  	_ =	shalt  }
0x63: {  	_ =	shalt  }
0x64: {  	_ =	shalt  }
0x65: {  	_ =	shalt  }
0x66: {  	_ =	shalt  }
0x67: {  	_ =	shalt  }
0x68: {  	_ =	shalt  }
0x69: {  	_ =	shalt  }
0x6a: {  	_ =	shalt  }
0x6b: {  	_ =	shalt  }
0x6c: {  	_ =	shalt  }
0x6d: {  	_ =	shalt  }
0x6e: {  	_ =	shalt  }
0x6f: {  	_ =	shalt  }
0x70: {  	_ =	shalt  }
0x71: {  	_ =	shalt  }
0x72: {  	_ =	shalt  }
0x73: {  	_ =	shalt  }
0x74: {  	_ =	shalt  }
0x75: {  	_ =	shalt  }
0x76: {  	_ =	shalt  }
0x77: {  	_ =	shalt  }
0x78: {  	_ =	shalt  }
0x79: {  	_ =	shalt  }
0x7a: {  	_ =	shalt  }
0x7b: {  	_ =	shalt  }
0x7c: {  	_ =	shalt  }
0x7d: {  	_ =	shalt  }
0x7e: {  	_ =	shalt  }
0x7f: {  	_ =	shalt  }
0x80: {  	_ =	shalt  }
0x81: {  	_ =	shalt  }
0x82: {  	_ =	shalt  }
0x83: {  	_ =	shalt  }
0x84: {  	_ =	shalt  }
0x85: {  	_ =	shalt  }
0x86: {  	_ =	shalt  }
0x87: {  	_ =	shalt  }
.Lfunc_end0:
.L_simem_size_0:
called_computation_lowered:
.L_overlay_start_0:
0x88: {  	s2 =	sld [smem:$0x3FD9]  }
0x89: {  	s3 =	sld [smem:$0x3FFE];
	_ =	sdelay $0x1  }
0x8a: {  	s1 =	srdreg.scid  }
0x8b: {  	s0 =	sand.u32 $0x1, s1  }
0x8c: {  	s17 =	sshll.u32 s0, $0xA;
	s2 =	sadd.s32 s3, s2  }
0x8d: {  	s2 =	sadd.s32 s2, s17  }
0x8e: {  	[smem:$0x3FC4] =	sst s2  }
0x8f: {  	_ = 	snop  }
0x90: {  	s2 =	sld [smem:$0x3FD0];
	(tm) =	ssettm $0x1  }
0x91: {  	s18 =	sld [smem:$0x3FFB];
	_ =	sdelay $0x3  }
0x92: {  	_ =	strace s18  }
0x93: {  	s3 =	sld [smem:$0x3FFC];
	_ =	sdelay $0x3  }
0x94: {  	_ =	strace s3  }
0x95: {  	s3 =	sld [smem:$0x3FFD];
	_ =	sdelay $0x3  }
0x96: {  	_ =	strace s3  }
0x97: {  	_ =	strace $0x8FFFFFFF  }
0x98: {  	s19 =	sld [smem:$0x3FDB];
	_ =	sdelay $0x1  }
0x99: {  	s4 =	simm.s32 $_scs_section_size  }
0x9a: {  	s5 =	simm.s32 $_size__tile_overlayer_lowered;
	s6 =	simm.s32 $_tile_overlayer_lowered  }
0x9b: {  	s22 =	simm.s32 $0x1BFF;
	s21 =	sshll.u32 s6, $0x1;
	s3 =	sadd.s32 s4, s19  }
0x9c: {  	s7 =	simm.s32 $0x0;
	s20 =	sshll.u32 s5, $0x1;
	s5 =	sadd.s32 s21, s3  }
0x9d: {  	[timem:s7], [sflag:s22] =	dma.local [hbm:s5], s20  }
0x9e: {  	_ =	swait.ge [sflag:s22], s20  }
0x9f: {  	s4 =	ssub.s32 $0x0, s20;
	[sflag:s22] =	ssyncset.done $0x0  }
0xa0: {  	[sflag:s22] =	ssyncadd.s32 s4;
	_ =	sdelay $0x1  }
0xa1: {  	s23 =	simm.s32 $0x1B8B  }
0xa2: {  	_ =	swait.ge [sflag:s23], $0x1  }
0xa3: {  	[sflag:s23] =	ssyncset.done $0x0  }
0xa4: {  	s25 =	simm.s32 $0x1B8E;
	s24 =	sld [smem:$0x3FFE];
	[sflag:s23] =	ssyncadd.s32 $0xFFFFFFFF  }
0xa5: {  	s26 =	simm.s32 $execute0_lowered;
	[smem:$0x3FD2] =	sst s25  }
0xa6: {  	s5 =	sshll.u32 s26, $0x1;
	_ =	strace $0x80000046;
	[dreg:$0x1] =	wrdreg $0xFFFFFFFF  }
0xa7: {  	s28 =	simm.s32 $_size_execute0_lowered;
	s3 =	sadd.s32 s3, s5;
	[dreg:$0x0] =	wrdreg $0x0  }
0xa8: {  	s5 =	sshll.u32 s28, $0x1;
	[dreg:$0x2] =	wrdreg s3  }
0xa9: {  	[dreg:$0x3] =	wrdreg s5  }
0xaa: {  	[dreg:$0x4] =	wrdreg $0xC0  }
0xab: {  	_ =	task [dreg:s7], $0x5FFFF  }
0xac: {  	[dreg:$0x1] =	wrdreg $0xFFFFFFFF  }
0xad: {  	[dreg:$0x0] =	wrdreg $0x60  }
0xae: {  	[dreg:$0x2] =	wrdreg s2  }
0xaf: {  	[dreg:$0x3] =	wrdreg s24  }
0xb0: {  	[dreg:$0x4] =	wrdreg $0x8B800  }
0xb1: {  	[dreg:$0x5] =	wrdreg $0x129800  }
0xb2: {  	[dreg:$0x6] =	wrdreg $0x8B000  }
0xb3: {  	[dreg:$0x7] =	wrdreg $0x9  }
0xb4: {  	_ =	task.clear_ibuf [dreg:s7], $0x8FFFF;
	_ =	strace $0x90000046  }
0xb5: {  	s29 =	simm.s32 $0x9;
	_ =	strace $0x80000048  }
0xb6: {  	_ =	swait.ge [sflag:s29], $0x1  }
0xb7: {  	[sflag:s29] =	ssyncadd.s32 $0xFFFFFFFF  }
0xb8: {  	_ =	strace $0x90000048  }
0xb9: {  	_ =	sfence  }
0xba: {  	s30 =	sld [smem:$0x0];
	_ =	sdelay $0x2  }
0xbb: {  	s31 =	sshll.u32 s1, $0xD;
	s1 =	sshrl.u32 s1, $0x2  }
0xbc: {  	s3 =	sand.u32 $0x4000, s31;
	s1 =	sadd.s32 s1, s30  }
0xbd: {  	s0 =	sor.u32 s3, s0;
	s1 =	sshll.u32 s1, $0x11  }
0xbe: {  	s0 =	sor.u32 s1, s0  }
0xbf: {  	s0 =	sadd.s32 $0x8F2B, s0  }
0xc0: {  	[sflag:s0] =	ssyncadd.remote.s32 $0x1  }
0xc1: {  	_ =	sfence.sel $0xFFFF  }
0xc2: {  	[dreg:$0x0] =	wrdreg $0xFFFFFFFF;
	(pc) =	sbr.abs _section_cstart, $3  }
0xc3: {  	[dreg:$0x1] =	wrdreg $0xFFFFFFFF  }
0xc4: {  	_ =	task.clear_ibuf [dreg:s7], $0x2FFFF;
	_ =	strace $0x9FFFFFFF  }
0xc5: {  	(tm) =	ssettm $0x7FFFFFFF  }
tec
execute0_lowered:
.L_overlay_start_1:
0x0: {  	(tag) =	ssettag $0x1  }
0x1: {  	s1 =	rddreg [dreg:$0x0]  }
0x2: {  	s0 =	rddreg [dreg:$0x1]  }
0x3: {  	s2 =	rddreg [dreg:$0x2]  }
0x4: {  	s3 =	rddreg [dreg:$0x3]  }
0x5: {  	s4 =	rddreg [dreg:$0x4];
	s5 =	simm.s32 $0x0  }
0x6: {  	s6 =	srdreg.scid;
	s10 =	stileid.u32;
	s31 =	simm.s32 $0x300  }
0x7: {  	s28 =	simm.s32 $0x4300;
	s30 =	simm.s32 $0x6;
	s29 =	simm.s32 $0x6300  }
0x8: {  	[smem:$0x7FF] =	sst s5;
	s6 =	sand.u32 $0x1, s6;
	s11 =	smul.u32 $0x278, s10  }
0x9: {  	s7 =	sadd.s32 $0xE00, s0;
	s8 =	sadd.s32 $0x14A00, s0;
	s9 =	sadd.s32 $0xAC00, s0  }
0xa: {  	s15 =	smul.u32 $0x27800, s10;
	p0 =	sne.s32 s10, $0x0;
	_ =	strace $0x80000047  }
0xb: {  	s12 =	smul.u32 $0x2780, s6;
	s13 =	sshll.u32 s6, $0x8;
	s14 =	ssub.s32 $0x2, s6  }
0xc: {  	p1 =	sne.s32 s6, $0x0;
	s13 =	sadd.s32 s13, s0;
	s16 =	sshrl.u32 s14, $0x1  }
0xd: {  	s15 =	sshrl.u32 s15, $0x2;
	s17 =	sadd.s32 $0x80, s11;
	s18 =	sadd.s32 $0x100, s11  }
0xe: {  	s12 =	sadd.s32 s11, s12;
	s14 =	ssub.s32 s14, s16;
	s16 =	smul.u32 $0x2780, s10  }
0xf: {  	s19 =	sadd.s32 $0x180, s11;
	s11 =	sadd.s32 $0x200, s11;
	s12 =	sshll.u32 s12, $0x3  }
0x10: {  	s12 =	sadd.s32 s12, s0;
	s0 =	sadd.s32 $0x4FE00, s0;
	s20 =	sshrl.u32 s16, $0x3  }
0x11: {  	s21 =	sshll.u32 s17, $0x1;
	s22 =	sshll.u32 s18, $0x1;
	s20 =	sadd.s32 s0, s20  }
0x12: {  	s24 =	sshll.u32 s19, $0x1;
	s21 =	sadd.s32 s0, s21;
	[dreg:$0x6] =	wrdreg s20  }
0x13: {  	s25 =	sshll.u32 s11, $0x1;
	s23 =	sadd.s32 s0, s22;
	[dreg:$0x7] =	wrdreg s21  }
0x14: {  	s26 =	sadd.s32 s0, s24;
	s0 =	sadd.s32 s0, s25;
	[dreg:$0x8] =	wrdreg s23  }
0x15: {  	s25 =	sadd.s32 s15, s2;
	s22 =	sshll.u32 s17, $0x4;
	[dreg:$0x9] =	wrdreg s26  }
0x16: {  	s24 =	sshll.u32 s18, $0x4;
	s15 =	sshll.u32 s19, $0x6;
	[dreg:$0xa] =	wrdreg s0  }
0x17: {  	s20 =	sshll.u32 s17, $0x6;
	s21 =	sadd.s32 s16, s3;
	[dreg:$0xb] =	wrdreg s25  }
0x18: {  	s23 =	sshll.u32 s18, $0x6;
	s5 =	sadd.s32 s24, s3;
	[dreg:$0xc] =	wrdreg s21  }
0x19: {  	s16 =	sshll.u32 s19, $0x4;
	s0 =	sadd.s32 s20, s2;
	[dreg:$0x10] =	wrdreg s5  }
0x1a: {  	s18 =	sshll.u32 s11, $0x4;
	s26 =	sadd.s32 s23, s2;
	[dreg:$0xd] =	wrdreg s0  }
0x1b: {  	s17 =	sshll.u32 s11, $0x6;
	s19 =	sadd.s32 s18, s3;
	[dreg:$0xf] =	wrdreg s26  }
0x1c: {  	s21 =	smul.u32 $0x4F00, s10;
	s18 =	sadd.s32 $0x28600, s12;
	[dreg:$0x14] =	wrdreg s19  }
0x1d: {  	s23 =	smul.u32 $0x4F000, s6;
	s0 =	sadd.s32 s22, s3;
	[dreg:$0x1c] =	wrdreg s18  }
0x1e: {  	s22 =	sadd.s32 $0xC00, s13;
	s19 =	sadd.s32 $0x28A00, s12;
	[dreg:$0xe] =	wrdreg s0  }
0x1f: {  	s18 =	simm.s32 $0x4;
	s0 =	sadd.s32 s15, s2;
	[dreg:$0x15] =	wrdreg s22  }
0x20: {  	s20 =	sadd.s32 s21, s23;
	s24 =	sor.u32 $0x80, s21;
	[dreg:$0x1d] =	wrdreg s19  }
0x21: {  	s26 =	sshrl.u32 s21, $0x3;
	s22 =	sadd.s32 $0x29200, s12;
	[dreg:$0x11] =	wrdreg s0  }
0x22: {  	s19 =	simm.s32 $0x0;
	s0 =	sadd.s32 s16, s3;
	[dreg:$0x1f] =	wrdreg s22  }
0x23: {  	s5 =	sadd.s32 s23, s24;
	s13 =	sadd.s32 s7, s26;
	[dreg:$0x12] =	wrdreg s0  }
0x24: {  	s10 =	sshrl.u32 s24, $0x3;
	s24 =	sadd.s32 $0x29600, s12;
	[dreg:$0x17] =	wrdreg s13  }
0x25: {  	s0 =	sadd.s32 s17, s2;
	s11 =	sshrl.u32 s5, $0x3;
	[smem:$0x7FC] =	sst s24  }
0x26: {  	s16 =	sadd.s32 s7, s10;
	s17 =	sadd.s32 s9, s10;
	[dreg:$0x13] =	wrdreg s0  }
0x27: {  	s13 =	simm.s32 $0x5;
	s0 =	sshrl.u32 s20, $0x3;
	[dreg:$0x1a] =	wrdreg s16  }
0x28: {  	s15 =	sadd.s32 s8, s11;
	[dreg:$0x1b] =	wrdreg s17;
	s20 =	sadd.s32 $0x28E00, s12  }
0x29: {  	s11 =	simm.s32 $0x100;
	s12 =	simm.s32 $0x180;
	[dreg:$0x19] =	wrdreg s15  }
0x2a: {  	s16 =	simm.s32 $0x3;
	s0 =	sadd.s32 s8, s0;
	[dreg:$0x1e] =	wrdreg s20  }
0x2b: {  	s17 =	simm.s32 $0x2;
	[dreg:$0x16] =	wrdreg s0;
	s0 =	sadd.s32 s9, s26  }
0x2c: {  	v0 =	vimm.f32 $0.0e+00;
	vm0 =	vcmask $0x300;
	s15 =	simm.s32 $0x1;
	s26 =	smax.u32 s14, $0x1;
	[dreg:$0x18] =	wrdreg s0  }
0x2d: {  	v1 =	vsel vm0, $0x3F800000, v0;
	s14 =	simm.s32 $0x80;
	[smem:$0x7FD] =	sst s26;
	s0 =	simm.s32 $0x9  }
.LBB2_1:
0x2e: {  	s20 =	simm.s32 $0x320  }
0x2f: {  	[tilespmem:s20+$0x0] =	vst v0  }
0x30: {  	[tilespmem:s20+$0xFFFFFFE0] =	vst v0  }
0x31: {  	[tilespmem:s20+$0x10] =	vst v0  }
0x32: {  	s22 =	simm.s32 $0x40;
	s24 =	simm.s32 $0x0;
	[tilespmem:s20+$0xFFFFFFF0] =	vst v0  }
.LBB2_2:
0x33: {  	p2 =	sne.s32 s22, $0x1FC0  }
0x34: {  	[tilespmem:s24+$0x8300] =	vst v0;
	s20 =	sadd.s32 $0x40, s20;
	s24 =	smov.u32 s22;
	s22 =	sadd.s32 $0x40, s22  }
.Ltmp0:
0x35: {  	[tilespmem:s20+$0x0] =	vst v0;
	(pc) =	sbr.rel @p2 .LBB2_2-.Ltmp0, $4  }
0x36: {  	_ = 	snop  }
0x37: {  	[tilespmem:s20+$0xFFFFFFE0] =	vst v0  }
0x38: {  	[tilespmem:s20+$0x10] =	vst v0  }
0x39: {  	s24 =	sshra.s32 s24, $0x2;
	[tilespmem:s20+$0xFFFFFFF0] =	vst v0  }
0x3a: {  	[tilespmem:s24+$0x8300] =	vst v0  }
0x3b: {  	[spmem:s25] =	stream.linear.scatter [tilespmem:s31], [sflag:$0x9], $0x2000, $0x38;
	[tilespmem:$0x15100] =	vst v63  }
0x3c: {  	_ =	swait.ge [sflag:s0], $0x2000  }
0x3d: {  	[sflag:s0] =	ssyncset.done $0x0  }
0x3e: {  	s10 =	simm.s32 $0x8300;
	s5 =	rddreg [dreg:$0xc];
	[sflag:s0] =	ssyncadd.s32 $0xFFFFE000  }
0x3f: {  	[spmem:s5] =	stream.linear.scatter [tilespmem:s10], [sflag:$0x9], $0x800, $0x38;
	[tilespmem:$0x15100] =	vst v63  }
0x40: {  	_ =	swait.ge [sflag:s0], $0x800  }
0x41: {  	[sflag:s0] =	ssyncset.done $0x0  }
0x42: {  	s24 =	rddreg [dreg:$0xd];
	[sflag:s0] =	ssyncadd.s32 $0xFFFFF800  }
0x43: {  	[spmem:s24] =	stream.linear.scatter [tilespmem:s31], [sflag:$0x9], $0x2000, $0x38;
	[tilespmem:$0x15100] =	vst v63  }
0x44: {  	_ =	swait.ge [sflag:s0], $0x2000  }
0x45: {  	[sflag:s0] =	ssyncset.done $0x0  }
0x46: {  	s25 =	rddreg [dreg:$0xe];
	[sflag:s0] =	ssyncadd.s32 $0xFFFFE000  }
0x47: {  	[spmem:s25] =	stream.linear.scatter [tilespmem:s10], [sflag:$0x9], $0x800, $0x38;
	[tilespmem:$0x15100] =	vst v63  }
0x48: {  	_ =	swait.ge [sflag:s0], $0x800  }
0x49: {  	[sflag:s0] =	ssyncset.done $0x0  }
0x4a: {  	s26 =	rddreg [dreg:$0xf];
	[sflag:s0] =	ssyncadd.s32 $0xFFFFF800  }
0x4b: {  	[spmem:s26] =	stream.linear.scatter [tilespmem:s31], [sflag:$0x9], $0x2000, $0x38;
	[tilespmem:$0x15100] =	vst v63  }
0x4c: {  	_ =	swait.ge [sflag:s0], $0x2000  }
0x4d: {  	[sflag:s0] =	ssyncset.done $0x0  }
0x4e: {  	s20 =	rddreg [dreg:$0x10];
	[sflag:s0] =	ssyncadd.s32 $0xFFFFE000  }
0x4f: {  	[spmem:s20] =	stream.linear.scatter [tilespmem:s10], [sflag:$0x9], $0x800, $0x38;
	[tilespmem:$0x15100] =	vst v63  }
0x50: {  	_ =	swait.ge [sflag:s0], $0x800  }
0x51: {  	[sflag:s0] =	ssyncset.done $0x0  }
0x52: {  	s22 =	rddreg [dreg:$0x11];
	[sflag:s0] =	ssyncadd.s32 $0xFFFFF800  }
0x53: {  	[spmem:s22] =	stream.linear.scatter [tilespmem:s31], [sflag:$0x9], $0x2000, $0x38;
	[tilespmem:$0x15100] =	vst v63  }
0x54: {  	_ =	swait.ge [sflag:s0], $0x2000  }
0x55: {  	[sflag:s0] =	ssyncset.done $0x0  }
0x56: {  	s24 =	rddreg [dreg:$0x12];
	[sflag:s0] =	ssyncadd.s32 $0xFFFFE000  }
0x57: {  	[spmem:s24] =	stream.linear.scatter [tilespmem:s10], [sflag:$0x9], $0x800, $0x38;
	[tilespmem:$0x15100] =	vst v63  }
0x58: {  	_ =	swait.ge [sflag:s0], $0x800  }
0x59: {  	[sflag:s0] =	ssyncset.done $0x0  }
0x5a: {  	s25 =	rddreg [dreg:$0x13];
	[sflag:s0] =	ssyncadd.s32 $0xFFFFF800  }
0x5b: {  	[spmem:s25] =	stream.linear.scatter [tilespmem:s31], [sflag:$0x9], $0x1E00, $0x38;
	[tilespmem:$0x15100] =	vst v63  }
0x5c: {  	_ =	swait.ge [sflag:s0], $0x1E00  }
0x5d: {  	[sflag:s0] =	ssyncset.done $0x0  }
0x5e: {  	s26 =	rddreg [dreg:$0x14];
	[sflag:s0] =	ssyncadd.s32 $0xFFFFE200  }
0x5f: {  	[spmem:s26] =	stream.linear.scatter [tilespmem:s10], [sflag:$0x9], $0x780, $0x38;
	[tilespmem:$0x15100] =	vst v63  }
0x60: {  	_ =	swait.ge [sflag:s0], $0x780  }
0x61: {  	[sflag:s0] =	ssyncset.done $0x0  }
0x62: {  	s20 =	simm.s32 $0x40;
	s22 =	simm.s32 $0x0;
	[sflag:s0] =	ssyncadd.s32 $0xFFFFF880  }
.LBB2_4:
0x63: {  	p2 =	sne.s32 s20, $0x1FC0;
	[tilespmem:s22+$0x8300] =	vst v1;
	s22 =	smov.u32 s20;
	s20 =	sadd.s32 $0x40, s20  }
.Ltmp1:
0x64: {  	(pc) =	sbr.rel @p2 .LBB2_4-.Ltmp1, $2  }
0x65: {  	_ =	sdelay $0x2  }
0x66: {  	s22 =	sshra.s32 s22, $0x2  }
0x67: {  	[tilespmem:s22+$0x8300] =	vst v1;
	s20 =	sshrl.u32 @!p0 s4, $0x3;
	s22 =	simm.s32 @!p0 $0x1C09;
	s5 =	rddreg [dreg:$0x15]  }
0x68: {  	[spmem:s20], [sflag:s22] =	dma.local @!p0 [hbm:s5], $0x100  }
0x69: {  	s20 =	simm.s32 @!p0 $0x9  }
0x6a: {  	_ =	swait.ge @!p0 [sflag:s20], $0x100  }
0x6b: {  	[sflag:s20] =	ssyncset.done @!p0 $0x0  }
0x6c: {  	[sflag:s20] =	ssyncadd.s32 @!p0 $0xFFFFFF00  }
0x6d: {  	[bflag:$0x0] =	sbarrier.arrive $0xFFFF  }
0x6e: {  	s22 =	simm.s32 $0x0;
	s24 =	rddreg [dreg:$0x16]  }
0x6f: {  	[tilespmem:s22], [sflag:$0x5] =	stream.linear.gather [hbm4b:s24+s22], $0x80, $0x38;
	[tilespmem:$0x15100] =	vst v63  }
0x70: {  	s25 =	rddreg [dreg:$0x17]  }
0x71: {  	[tilespmem:s11], [sflag:$0x5] =	stream.linear.gather [hbm4b:s25+s22], $0x80, $0x38;
	[tilespmem:$0x15100] =	vst v63  }
0x72: {  	s10 =	simm.s32 $0x200;
	s26 =	rddreg [dreg:$0x18]  }
0x73: {  	[tilespmem:s10], [sflag:$0x5] =	stream.linear.gather [hbm4b:s26+s22], $0x80, $0x38;
	[tilespmem:$0x15100] =	vst v63  }
0x74: {  	_ =	swait.ge [sflag:s13], $0x80  }
0x75: {  	[sflag:s13] =	ssyncset.done $0x0  }
0x76: {  	[sflag:s13] =	ssyncadd.s32 $0xFFFFFF80  }
0x77: {  	_ =	swait.ge [sflag:s13], $0x80  }
0x78: {  	[sflag:s13] =	ssyncset.done $0x0  }
0x79: {  	[sflag:s13] =	ssyncadd.s32 $0xFFFFFF80  }
0x7a: {  	_ =	swait.ge [sflag:s13], $0x80  }
0x7b: {  	[sflag:s13] =	ssyncset.done $0x0  }
0x7c: {  	[sflag:s13] =	ssyncadd.s32 $0xFFFFFF80  }
0x7d: {  	[tilespmem:s31], [sflag:$0x1] =	stream.indirect.gather [hbm4b:s1+s14], $0x40, s22, s14, $0xb8;
	[tilespmem:$0x15100] =	vst v63  }
0x7e: {  	_ = 	snop  }
0x7f: {  	[tilespmem:s28], [sflag:$0x3] =	stream.indirect.gather [spmem:s4], $0x40, s10, s14, $0xb8;
	[tilespmem:$0x15100] =	vst v63  }
0x80: {  	s10 =	rddreg [dreg:$0x19]  }
0x81: {  	[tilespmem:s14], [sflag:$0x6] =	stream.linear.gather [hbm4b:s10+s22], $0x80, $0x38;
	[tilespmem:$0x15100] =	vst v63  }
0x82: {  	s20 =	rddreg [dreg:$0x1a]  }
0x83: {  	[tilespmem:s12], [sflag:$0x6] =	stream.linear.gather [hbm4b:s20+s22], $0x80, $0x38;
	[tilespmem:$0x15100] =	vst v63  }
0x84: {  	s25 =	simm.s32 $0x280;
	s24 =	rddreg [dreg:$0x1b]  }
0x85: {  	[tilespmem:s25], [sflag:$0x6] =	stream.linear.gather [hbm4b:s24+s22], $0x80, $0x38;
	[tilespmem:$0x15100] =	vst v63  }
0x86: {  	_ =	swait.ge [sflag:s30], $0x80  }
0x87: {  	[sflag:s30] =	ssyncset.done $0x0  }
0x88: {  	[sflag:s30] =	ssyncadd.s32 $0xFFFFFF80  }
0x89: {  	_ =	swait.ge [sflag:s30], $0x80  }
0x8a: {  	[sflag:s30] =	ssyncset.done $0x0  }
0x8b: {  	[sflag:s30] =	ssyncadd.s32 $0xFFFFFF80  }
0x8c: {  	_ =	swait.ge [sflag:s30], $0x80  }
0x8d: {  	[sflag:s30] =	ssyncset.done $0x0  }
0x8e: {  	s26 =	simm.s32 $0x2300;
	[sflag:s30] =	ssyncadd.s32 $0xFFFFFF80  }
0x8f: {  	[tilespmem:s26], [sflag:$0x2] =	stream.indirect.gather [hbm4b:s1+s14], $0x40, s14, s14, $0xb8;
	[tilespmem:$0x15100] =	vst v63  }
0x90: {  	_ = 	snop  }
0x91: {  	[tilespmem:s29], [sflag:$0x4] =	stream.indirect.gather [spmem:s4], $0x40, s25, s14, $0xb8;
	[tilespmem:$0x15100] =	vst v63  }
.LBB2_6:
0x92: {  	_ =	swait.ge [sflag:s15], $0x2000  }
0x93: {  	[sflag:s15] =	ssyncset.done $0x0  }
0x94: {  	[sflag:s15] =	ssyncadd.s32 $0xFFFFE000  }
0x95: {  	_ =	swait.ge [sflag:s16], $0x2000  }
0x96: {  	[sflag:s16] =	ssyncset.done $0x0  }
0x97: {  	s20 =	simm.s32 $0x0;
	[sflag:s16] =	ssyncadd.s32 $0xFFFFE000  }
0x98: {  	v7 =	vld [tilespmem:s20+$0x300]  }
0x99: {  	v8 =	vld [tilespmem:s20+$0x310]  }
0x9a: {  	v3 =	vld [tilespmem:s20+$0x320]  }
0x9b: {  	v2 =	vld [tilespmem:s20+$0x330]  }
0x9c: {  	v4 =	vld [tilespmem:s20+$0x4300]  }
0x9d: {  	v6 =	vld [tilespmem:s20+$0x4310]  }
0x9e: {  	s24 =	simm.s32 $0x100;
	v5 =	vld [tilespmem:s20+$0x4320]  }
.LBB2_7:
0x9f: {  	s25 =	sshra.s32 s24, $0x2;
	p2 =	sne.s32 s24, $0x7F00;
	v9 =	vld [tilespmem:s20+$0x4330];
	v10 =	vmov v3  }
0xa0: {  	v11 =	vld [tilespmem:s25+$0x300];
	v12 =	vmov v2  }
0xa1: {  	v13 =	vld [tilespmem:s25+$0x310];
	v4 =	vmul.f32 v7, v4  }
.Ltmp2:
0xa2: {  	v3 =	vld [tilespmem:s25+$0x320];
	v6 =	vmul.f32 v8, v6;
	(pc) =	sbr.rel @p2 .LBB2_7-.Ltmp2, $4  }
0xa3: {  	v2 =	vld [tilespmem:s25+$0x330];
	[tilespmem:s20+$0x4300] =	vst v4;
	v5 =	vmul.f32 v10, v5  }
0xa4: {  	v4 =	vld [tilespmem:s25+$0x4300];
	[tilespmem:s20+$0x4310] =	vst v6;
	v9 =	vmul.f32 v12, v9  }
0xa5: {  	v6 =	vld [tilespmem:s25+$0x4310];
	[tilespmem:s20+$0x4320] =	vst v5;
	v7 =	vmov v11  }
0xa6: {  	s24 =	sadd.s32 $0x100, s24;
	v5 =	vld [tilespmem:s25+$0x4320];
	[tilespmem:s20+$0x4330] =	vst v9;
	v8 =	vmov v13;
	s20 =	smov.u32 s25  }
0xa7: {  	v9 =	vld [tilespmem:s20+$0x4330];
	_ =	sdelay $0x1  }
0xa8: {  	v4 =	vmul.f32 v7, v4  }
0xa9: {  	v6 =	vmul.f32 v8, v6  }
0xaa: {  	[tilespmem:s20+$0x4300] =	vst v4;
	v3 =	vmul.f32 v3, v5  }
0xab: {  	[tilespmem:s20+$0x4310] =	vst v6;
	v2 =	vmul.f32 v2, v9  }
0xac: {  	[tilespmem:s20+$0x4320] =	vst v3  }
0xad: {  	[tilespmem:s20+$0x4330] =	vst v2  }
0xae: {  	[spmem:s2] =	stream.indirect.scatter.add.f32 [tilespmem:s28], [sflag:$0x7], $0x40, s11, s14, $0xb8;
	[tilespmem:$0x15100] =	vst v63  }
0xaf: {  	s24 =	simm.s32 @!p1 $0x100;
	s25 =	simm.s32 @!p1 $0x8300;
	s20 =	simm.s32 @!p1 $0x80  }
0xb0: {  	[spmem:s3] =	stream.indirect.scatter.add.f32 @!p1 [tilespmem:s25], [sflag:$0x7], $0x10, s24, s20, $0xb8;
	[tilespmem:$0x15100] =	vst v63  }
0xb1: {  	_ =	swait.ge [sflag:s17], $0x2000  }
0xb2: {  	[sflag:s17] =	ssyncset.done $0x0  }
0xb3: {  	[sflag:s17] =	ssyncadd.s32 $0xFFFFE000  }
0xb4: {  	_ =	swait.ge [sflag:s18], $0x2000  }
0xb5: {  	[sflag:s18] =	ssyncset.done $0x0  }
0xb6: {  	s20 =	simm.s32 $0x0;
	[sflag:s18] =	ssyncadd.s32 $0xFFFFE000  }
0xb7: {  	v7 =	vld [tilespmem:s20+$0x2300]  }
0xb8: {  	v8 =	vld [tilespmem:s20+$0x2310]  }
0xb9: {  	v3 =	vld [tilespmem:s20+$0x2320]  }
0xba: {  	v2 =	vld [tilespmem:s20+$0x2330]  }
0xbb: {  	v4 =	vld [tilespmem:s20+$0x6300]  }
0xbc: {  	v6 =	vld [tilespmem:s20+$0x6310]  }
0xbd: {  	s24 =	simm.s32 $0x100;
	v5 =	vld [tilespmem:s20+$0x6320]  }
.LBB2_9:
0xbe: {  	s25 =	sshra.s32 s24, $0x2;
	p2 =	sne.s32 s24, $0x7F00;
	v9 =	vld [tilespmem:s20+$0x6330];
	v10 =	vmov v3  }
0xbf: {  	v11 =	vld [tilespmem:s25+$0x2300];
	v12 =	vmov v2  }
0xc0: {  	v13 =	vld [tilespmem:s25+$0x2310];
	v4 =	vmul.f32 v7, v4  }
.Ltmp3:
0xc1: {  	v3 =	vld [tilespmem:s25+$0x2320];
	v6 =	vmul.f32 v8, v6;
	(pc) =	sbr.rel @p2 .LBB2_9-.Ltmp3, $4  }
0xc2: {  	v2 =	vld [tilespmem:s25+$0x2330];
	[tilespmem:s20+$0x6300] =	vst v4;
	v5 =	vmul.f32 v10, v5  }
0xc3: {  	v4 =	vld [tilespmem:s25+$0x6300];
	[tilespmem:s20+$0x6310] =	vst v6;
	v9 =	vmul.f32 v12, v9  }
0xc4: {  	v6 =	vld [tilespmem:s25+$0x6310];
	[tilespmem:s20+$0x6320] =	vst v5;
	v7 =	vmov v11  }
0xc5: {  	s24 =	sadd.s32 $0x100, s24;
	v5 =	vld [tilespmem:s25+$0x6320];
	[tilespmem:s20+$0x6330] =	vst v9;
	v8 =	vmov v13;
	s20 =	smov.u32 s25  }
0xc6: {  	v9 =	vld [tilespmem:s20+$0x6330];
	_ =	sdelay $0x1  }
0xc7: {  	v4 =	vmul.f32 v7, v4  }
0xc8: {  	v6 =	vmul.f32 v8, v6  }
0xc9: {  	[tilespmem:s20+$0x6300] =	vst v4;
	v3 =	vmul.f32 v3, v5  }
0xca: {  	[tilespmem:s20+$0x6310] =	vst v6;
	v2 =	vmul.f32 v2, v9  }
0xcb: {  	[tilespmem:s20+$0x6320] =	vst v3  }
0xcc: {  	s24 =	simm.s32 @!p1 $0x80;
	[tilespmem:s20+$0x6330] =	vst v2  }
0xcd: {  	[spmem:s2] =	stream.indirect.scatter.add.f32 [tilespmem:s29], [sflag:$0x8], $0x40, s12, s14, $0xb8;
	[tilespmem:$0x15100] =	vst v63  }
0xce: {  	s25 =	simm.s32 @!p1 $0x180;
	p2 =	seq.s32 s22, $0x4E;
	s20 =	simm.s32 @!p1 $0x8300  }
0xcf: {  	[spmem:s3] =	stream.indirect.scatter.add.f32 @!p1 [tilespmem:s20], [sflag:$0x8], $0x10, s25, s24, $0xb8;
	[tilespmem:$0x15100] =	vst v63  }
0xd0: {  	s24 =	simm.s32 @!p2 $0x7  }
0xd1: {  	s22 =	sadd.s32 $0x1, s22;
	p3 =	sne.s32 @!p2 s6, $0x0;
	_ =	swait.ge @!p2 [sflag:s24], $0x2000  }
0xd2: {  	p3 =	por p3, p2;
	s25 =	sshll.u32 @!p2 s22, $0x8;
	[sflag:s24] =	ssyncset.done @!p2 $0x0  }
0xd3: {  	s26 =	sadd.s32 @!p2 s21, s25;
	[sflag:s24] =	ssyncadd.s32 @!p2 $0xFFFFE000;
	s24 =	simm.s32 @!p3 $0x7  }
0xd4: {  	s5 =	sadd.s32 @!p2 s23, s26;
	_ =	swait.ge @!p3 [sflag:s24], $0x800  }
0xd5: {  	s5 =	sshrl.u32 @!p2 s5, $0x3;
	[sflag:s24] =	ssyncset.done @!p3 $0x0  }
0xd6: {  	s5 =	sadd.s32 @!p2 s8, s5;
	[sflag:s24] =	ssyncadd.s32 @!p3 $0xFFFFF800;
	s24 =	simm.s32 @!p2 $0x0  }
0xd7: {  	[tilespmem:s24], [sflag:$0x5] =	stream.linear.gather @!p2 [hbm4b:s5+s24], $0x80, $0x38;
	[tilespmem:$0x15100] =	vst v63  }
0xd8: {  	s5 =	sshrl.u32 @!p2 s26, $0x3  }
0xd9: {  	s10 =	simm.s32 @!p2 $0x100;
	s26 =	sadd.s32 @!p2 s7, s5  }
0xda: {  	[tilespmem:s10], [sflag:$0x5] =	stream.linear.gather @!p2 [hbm4b:s26+s24], $0x80, $0x38;
	[tilespmem:$0x15100] =	vst v63  }
0xdb: {  	s5 =	sadd.s32 @!p2 s9, s5;
	s10 =	simm.s32 @!p2 $0x200  }
0xdc: {  	[tilespmem:s10], [sflag:$0x5] =	stream.linear.gather @!p2 [hbm4b:s5+s24], $0x80, $0x38;
	[tilespmem:$0x15100] =	vst v63  }
0xdd: {  	s5 =	simm.s32 @!p2 $0x5  }
0xde: {  	_ =	swait.ge @!p2 [sflag:s5], $0x80  }
0xdf: {  	[sflag:s5] =	ssyncset.done @!p2 $0x0  }
0xe0: {  	[sflag:s5] =	ssyncadd.s32 @!p2 $0xFFFFFF80  }
0xe1: {  	_ =	swait.ge @!p2 [sflag:s5], $0x80  }
0xe2: {  	[sflag:s5] =	ssyncset.done @!p2 $0x0  }
0xe3: {  	[sflag:s5] =	ssyncadd.s32 @!p2 $0xFFFFFF80  }
0xe4: {  	_ =	swait.ge @!p2 [sflag:s5], $0x80  }
0xe5: {  	[sflag:s5] =	ssyncset.done @!p2 $0x0  }
0xe6: {  	s26 =	simm.s32 @!p2 $0x300;
	[sflag:s5] =	ssyncadd.s32 @!p2 $0xFFFFFF80;
	s5 =	simm.s32 @!p2 $0x80  }
0xe7: {  	[tilespmem:s26], [sflag:$0x1] =	stream.indirect.gather @!p2 [hbm4b:s1+s5], $0x40, s24, s5, $0xb8;
	[tilespmem:$0x15100] =	vst v63  }
0xe8: {  	s26 =	simm.s32 @!p2 $0x4300  }
0xe9: {  	[tilespmem:s26], [sflag:$0x3] =	stream.indirect.gather @!p2 [spmem:s4], $0x40, s10, s5, $0xb8;
	[tilespmem:$0x15100] =	vst v63  }
0xea: {  	s10 =	simm.s32 @!p2 $0x8  }
0xeb: {  	_ =	swait.ge @!p2 [sflag:s10], $0x2000  }
0xec: {  	s25 =	sadd.s32 @!p2 s25, s21;
	[sflag:s10] =	ssyncset.done @!p2 $0x0  }
0xed: {  	s25 =	sadd.s32 @!p2 $0x80, s25;
	[sflag:s10] =	ssyncadd.s32 @!p2 $0xFFFFE000;
	s10 =	simm.s32 @!p3 $0x8  }
0xee: {  	s26 =	sadd.s32 @!p2 s23, s25;
	_ =	swait.ge @!p3 [sflag:s10], $0x800  }
0xef: {  	s26 =	sshrl.u32 @!p2 s26, $0x3;
	[sflag:s10] =	ssyncset.done @!p3 $0x0  }
0xf0: {  	[sflag:s10] =	ssyncadd.s32 @!p3 $0xFFFFF800;
	s10 =	sadd.s32 @!p2 s8, s26  }
0xf1: {  	[tilespmem:s5], [sflag:$0x6] =	stream.linear.gather @!p2 [hbm4b:s10+s24], $0x80, $0x38;
	[tilespmem:$0x15100] =	vst v63  }
0xf2: {  	s10 =	sshrl.u32 @!p2 s25, $0x3  }
0xf3: {  	s26 =	simm.s32 @!p2 $0x180;
	s25 =	sadd.s32 @!p2 s7, s10  }
0xf4: {  	[tilespmem:s26], [sflag:$0x6] =	stream.linear.gather @!p2 [hbm4b:s25+s24], $0x80, $0x38;
	[tilespmem:$0x15100] =	vst v63  }
0xf5: {  	s10 =	sadd.s32 @!p2 s9, s10;
	s25 =	simm.s32 @!p2 $0x280  }
0xf6: {  	[tilespmem:s25], [sflag:$0x6] =	stream.linear.gather @!p2 [hbm4b:s10+s24], $0x80, $0x38;
	[tilespmem:$0x15100] =	vst v63  }
0xf7: {  	s10 =	simm.s32 @!p2 $0x6  }
0xf8: {  	_ =	swait.ge @!p2 [sflag:s10], $0x80  }
0xf9: {  	[sflag:s10] =	ssyncset.done @!p2 $0x0  }
0xfa: {  	[sflag:s10] =	ssyncadd.s32 @!p2 $0xFFFFFF80  }
0xfb: {  	_ =	swait.ge @!p2 [sflag:s10], $0x80  }
0xfc: {  	[sflag:s10] =	ssyncset.done @!p2 $0x0  }
0xfd: {  	[sflag:s10] =	ssyncadd.s32 @!p2 $0xFFFFFF80  }
0xfe: {  	_ =	swait.ge @!p2 [sflag:s10], $0x80  }
0xff: {  	[sflag:s10] =	ssyncset.done @!p2 $0x0  }
0x100: {  	[sflag:s10] =	ssyncadd.s32 @!p2 $0xFFFFFF80;
	s10 =	simm.s32 @!p2 $0x2300  }
0x101: {  	[tilespmem:s10], [sflag:$0x2] =	stream.indirect.gather @!p2 [hbm4b:s1+s5], $0x40, s5, s5, $0xb8;
	[tilespmem:$0x15100] =	vst v63  }
0x102: {  	p3 =	sne.s32 @!p2 s22, $0x4F;
	s10 =	simm.s32 @!p2 $0x6300  }
0x103: {  	[tilespmem:s10], [sflag:$0x4] =	stream.indirect.gather @!p2 [spmem:s4], $0x40, s25, s5, $0xb8;
	[tilespmem:$0x15100] =	vst v63  }
0x104: {  	p2 =	por p2, !p3  }
.Ltmp4:
0x105: {  	_ = 	snop;
	(pc) =	sbr.rel @!p2 .LBB2_6-.Ltmp4, $1  }
0x106: {  	_ =	sdelay $0x3  }
0x107: {  	s5 =	simm.s32 $0x7  }
0x108: {  	_ =	swait.ge [sflag:s5], $0x2000  }
0x109: {  	[sflag:s5] =	ssyncset.done $0x0  }
0x10a: {  	[sflag:s5] =	ssyncadd.s32 $0xFFFFE000;
	s5 =	simm.s32 @p1 $0x8  }
0x10b: {  	_ =	swait.ge @p1 [sflag:s5], $0x2000  }
0x10c: {  	[sflag:s5] =	ssyncset.done @p1 $0x0  }
0x10d: {  	[sflag:s5] =	ssyncadd.s32 @p1 $0xFFFFE000;
	s5 =	simm.s32 @!p1 $0x7  }
0x10e: {  	_ =	swait.ge @!p1 [sflag:s5], $0x800  }
0x10f: {  	[sflag:s5] =	ssyncset.done @!p1 $0x0  }
0x110: {  	[sflag:s5] =	ssyncadd.s32 @!p1 $0xFFFFF800;
	s5 =	simm.s32 @!p1 $0x8  }
0x111: {  	_ =	swait.ge @!p1 [sflag:s5], $0x2000  }
0x112: {  	[sflag:s5] =	ssyncset.done @!p1 $0x0  }
0x113: {  	[sflag:s5] =	ssyncadd.s32 @!p1 $0xFFFFE000  }
0x114: {  	_ =	swait.ge @!p1 [sflag:s5], $0x800  }
0x115: {  	[sflag:s5] =	ssyncset.done @!p1 $0x0  }
0x116: {  	[sflag:s5] =	ssyncadd.s32 @!p1 $0xFFFFF800  }
0x117: {  	[bflag:$0x0] =	sbarrier.arrive $0xFFFF  }
0x118: {  	s25 =	rddreg [dreg:$0xb]  }
0x119: {  	[tilespmem:s31], [sflag:$0x9] =	stream.linear.gather [spmem:s25], $0x2000, $0x38;
	[tilespmem:$0x15100] =	vst v63  }
0x11a: {  	_ =	swait.ge [sflag:s0], $0x2000  }
0x11b: {  	[sflag:s0] =	ssyncset.done $0x0  }
0x11c: {  	s5 =	simm.s32 $0x0;
	s10 =	rddreg [dreg:$0x1c];
	[sflag:s0] =	ssyncadd.s32 $0xFFFFE000  }
0x11d: {  	[hbm4b:s10+s5] =	stream.linear.scatter [tilespmem:s31], [sflag:$0x9], $0x2000, $0x38;
	[tilespmem:$0x15100] =	vst v63  }
0x11e: {  	_ =	swait.ge [sflag:s0], $0x2000  }
0x11f: {  	[sflag:s0] =	ssyncset.done $0x0  }
0x120: {  	s22 =	rddreg [dreg:$0xd];
	[sflag:s0] =	ssyncadd.s32 $0xFFFFE000  }
0x121: {  	[tilespmem:s31], [sflag:$0x9] =	stream.linear.gather [spmem:s22], $0x2000, $0x38;
	[tilespmem:$0x15100] =	vst v63  }
0x122: {  	_ =	swait.ge [sflag:s0], $0x2000  }
0x123: {  	[sflag:s0] =	ssyncset.done $0x0  }
0x124: {  	s24 =	rddreg [dreg:$0x1d];
	[sflag:s0] =	ssyncadd.s32 $0xFFFFE000  }
0x125: {  	[hbm4b:s24+s5] =	stream.linear.scatter [tilespmem:s31], [sflag:$0x9], $0x2000, $0x38;
	[tilespmem:$0x15100] =	vst v63  }
0x126: {  	_ =	swait.ge [sflag:s0], $0x2000  }
0x127: {  	[sflag:s0] =	ssyncset.done $0x0  }
0x128: {  	s26 =	rddreg [dreg:$0xf];
	[sflag:s0] =	ssyncadd.s32 $0xFFFFE000  }
0x129: {  	[tilespmem:s31], [sflag:$0x9] =	stream.linear.gather [spmem:s26], $0x2000, $0x38;
	[tilespmem:$0x15100] =	vst v63  }
0x12a: {  	_ =	swait.ge [sflag:s0], $0x2000  }
0x12b: {  	[sflag:s0] =	ssyncset.done $0x0  }
0x12c: {  	s22 =	rddreg [dreg:$0x1e];
	[sflag:s0] =	ssyncadd.s32 $0xFFFFE000  }
0x12d: {  	[hbm4b:s22+s5] =	stream.linear.scatter [tilespmem:s31], [sflag:$0x9], $0x2000, $0x38;
	[tilespmem:$0x15100] =	vst v63  }
0x12e: {  	_ =	swait.ge [sflag:s0], $0x2000  }
0x12f: {  	[sflag:s0] =	ssyncset.done $0x0  }
0x130: {  	s24 =	rddreg [dreg:$0x11];
	[sflag:s0] =	ssyncadd.s32 $0xFFFFE000  }
0x131: {  	[tilespmem:s31], [sflag:$0x9] =	stream.linear.gather [spmem:s24], $0x2000, $0x38;
	[tilespmem:$0x15100] =	vst v63  }
0x132: {  	_ =	swait.ge [sflag:s0], $0x2000  }
0x133: {  	[sflag:s0] =	ssyncset.done $0x0  }
0x134: {  	s26 =	rddreg [dreg:$0x1f];
	[sflag:s0] =	ssyncadd.s32 $0xFFFFE000  }
0x135: {  	[hbm4b:s26+s5] =	stream.linear.scatter [tilespmem:s31], [sflag:$0x9], $0x2000, $0x38;
	[tilespmem:$0x15100] =	vst v63  }
0x136: {  	_ =	swait.ge [sflag:s0], $0x2000  }
0x137: {  	[sflag:s0] =	ssyncset.done $0x0  }
0x138: {  	s22 =	rddreg [dreg:$0x13];
	[sflag:s0] =	ssyncadd.s32 $0xFFFFE000  }
0x139: {  	[tilespmem:s31], [sflag:$0x9] =	stream.linear.gather [spmem:s22], $0x1E00, $0x38;
	[tilespmem:$0x15100] =	vst v63  }
0x13a: {  	_ =	swait.ge [sflag:s0], $0x1E00  }
0x13b: {  	s24 =	sld [smem:$0x7FC]  }
0x13c: {  	[sflag:s0] =	ssyncset.done $0x0  }
0x13d: {  	[sflag:s0] =	ssyncadd.s32 $0xFFFFE200  }
0x13e: {  	[hbm4b:s24+s5] =	stream.linear.scatter [tilespmem:s31], [sflag:$0x9], $0x1E00, $0x38;
	[tilespmem:$0x15100] =	vst v63  }
0x13f: {  	_ =	swait.ge [sflag:s0], $0x1E00  }
0x140: {  	[sflag:s0] =	ssyncset.done $0x0  }
0x141: {  	s5 =	rddreg [dreg:$0xc];
	[sflag:s0] =	ssyncadd.s32 $0xFFFFE200  }
0x142: {  	[tilespmem:s20], [sflag:$0x9] =	stream.linear.gather @!p1 [spmem:s5], $0x800, $0x38;
	[tilespmem:$0x15100] =	vst v63  }
0x143: {  	s5 =	simm.s32 @!p1 $0x9  }
0x144: {  	_ =	swait.ge @!p1 [sflag:s5], $0x800  }
0x145: {  	[sflag:s5] =	ssyncset.done @!p1 $0x0  }
0x146: {  	s10 =	simm.s32 @!p1 $0x0;
	s22 =	rddreg [dreg:$0x6];
	[sflag:s5] =	ssyncadd.s32 @!p1 $0xFFFFF800  }
0x147: {  	[hbm4b:s22+s10] =	stream.linear.scatter @!p1 [tilespmem:s20], [sflag:$0x9], $0x800, $0x38;
	[tilespmem:$0x15100] =	vst v63  }
0x148: {  	_ =	swait.ge @!p1 [sflag:s5], $0x800  }
0x149: {  	[sflag:s5] =	ssyncset.done @!p1 $0x0  }
0x14a: {  	s22 =	rddreg [dreg:$0xe];
	[sflag:s5] =	ssyncadd.s32 @!p1 $0xFFFFF800  }
0x14b: {  	[tilespmem:s20], [sflag:$0x9] =	stream.linear.gather @!p1 [spmem:s22], $0x800, $0x38;
	[tilespmem:$0x15100] =	vst v63  }
0x14c: {  	_ =	swait.ge @!p1 [sflag:s5], $0x800  }
0x14d: {  	[sflag:s5] =	ssyncset.done @!p1 $0x0  }
0x14e: {  	s22 =	rddreg [dreg:$0x7];
	[sflag:s5] =	ssyncadd.s32 @!p1 $0xFFFFF800  }
0x14f: {  	[hbm4b:s22+s10] =	stream.linear.scatter @!p1 [tilespmem:s20], [sflag:$0x9], $0x800, $0x38;
	[tilespmem:$0x15100] =	vst v63  }
0x150: {  	_ =	swait.ge @!p1 [sflag:s5], $0x800  }
0x151: {  	[sflag:s5] =	ssyncset.done @!p1 $0x0  }
0x152: {  	s22 =	rddreg [dreg:$0x10];
	[sflag:s5] =	ssyncadd.s32 @!p1 $0xFFFFF800  }
0x153: {  	[tilespmem:s20], [sflag:$0x9] =	stream.linear.gather @!p1 [spmem:s22], $0x800, $0x38;
	[tilespmem:$0x15100] =	vst v63  }
0x154: {  	_ =	swait.ge @!p1 [sflag:s5], $0x800  }
0x155: {  	[sflag:s5] =	ssyncset.done @!p1 $0x0  }
0x156: {  	s22 =	rddreg [dreg:$0x8];
	[sflag:s5] =	ssyncadd.s32 @!p1 $0xFFFFF800  }
0x157: {  	[hbm4b:s22+s10] =	stream.linear.scatter @!p1 [tilespmem:s20], [sflag:$0x9], $0x800, $0x38;
	[tilespmem:$0x15100] =	vst v63  }
0x158: {  	_ =	swait.ge @!p1 [sflag:s5], $0x800  }
0x159: {  	[sflag:s5] =	ssyncset.done @!p1 $0x0  }
0x15a: {  	s22 =	rddreg [dreg:$0x12];
	[sflag:s5] =	ssyncadd.s32 @!p1 $0xFFFFF800  }
0x15b: {  	[tilespmem:s20], [sflag:$0x9] =	stream.linear.gather @!p1 [spmem:s22], $0x800, $0x38;
	[tilespmem:$0x15100] =	vst v63  }
0x15c: {  	_ =	swait.ge @!p1 [sflag:s5], $0x800  }
0x15d: {  	[sflag:s5] =	ssyncset.done @!p1 $0x0  }
0x15e: {  	s22 =	rddreg [dreg:$0x9];
	[sflag:s5] =	ssyncadd.s32 @!p1 $0xFFFFF800  }
0x15f: {  	[hbm4b:s22+s10] =	stream.linear.scatter @!p1 [tilespmem:s20], [sflag:$0x9], $0x800, $0x38;
	[tilespmem:$0x15100] =	vst v63  }
0x160: {  	_ =	swait.ge @!p1 [sflag:s5], $0x800  }
0x161: {  	[sflag:s5] =	ssyncset.done @!p1 $0x0  }
0x162: {  	s22 =	rddreg [dreg:$0x14];
	[sflag:s5] =	ssyncadd.s32 @!p1 $0xFFFFF800  }
0x163: {  	[tilespmem:s20], [sflag:$0x9] =	stream.linear.gather @!p1 [spmem:s22], $0x780, $0x38;
	[tilespmem:$0x15100] =	vst v63  }
0x164: {  	_ =	swait.ge @!p1 [sflag:s5], $0x780  }
0x165: {  	[sflag:s5] =	ssyncset.done @!p1 $0x0  }
0x166: {  	s22 =	rddreg [dreg:$0xa];
	[sflag:s5] =	ssyncadd.s32 @!p1 $0xFFFFF880  }
0x167: {  	[hbm4b:s22+s10] =	stream.linear.scatter @!p1 [tilespmem:s20], [sflag:$0x9], $0x780, $0x38;
	[tilespmem:$0x15100] =	vst v63  }
0x168: {  	_ =	swait.ge @!p1 [sflag:s5], $0x780  }
0x169: {  	s26 =	sld [smem:$0x7FD];
	_ =	sdelay $0x1  }
0x16a: {  	s19 =	sadd.s32 $0x1, s19  }
0x16b: {  	p2 =	sne.s32 s19, s26  }
.Ltmp5:
0x16c: {  	_ = 	snop;
	(pc) =	sbr.rel @p2 .LBB2_1-.Ltmp5, $3  }
0x16d: {  	_ =	sdelay $0x1  }
0x16e: {  	[sflag:s5] =	ssyncset.done @!p1 $0x0  }
0x16f: {  	[sflag:s5] =	ssyncadd.s32 @!p1 $0xFFFFF880  }
0x170: {  	_ =	sfence.sel $0x180000  }
0x171: {  	[bflag:$0x0] =	sbarrier.arrive $0xFFFF  }
0x172: {  	_ =	strace $0x90000047  }
0x173: {  	[bflag:$0x2] =	sbarrier.arrive $0xFFFF  }
0x174: {  	s0 =	rddreg [dreg:$0x5]  }
0x175: {  	s0 =	sadd.s32 @!p0 $0x100000, s0  }
0x176: {  	[sflag:s0] =	ssyncadd.tile.s32 @!p0 $0x1;
	_ =	shalt  }
.Lfunc_end2:
_tile_overlayer_lowered:
.L_overlay_start_2:
0x177: {  	(tag) =	ssettag $0x2  }
0x178: {  	s0 =	rddreg [dreg:$0x0];
	s2 =	stileid.u32  }
0x179: {  	s1 =	rddreg [dreg:$0x1];
	p0 =	sne.s32 s2, $0x0  }
0x17a: {  	s3 =	rddreg [dreg:$0x2];
	[bflag:$0x3] =	sbarrier.arrive $0xFFFF;
	s2 =	simm.s32 @!p0 $0x1C09  }
0x17b: {  	[timem:s3], [sflag:s2] =	dma.local @!p0 [hbm:s0], s1  }
0x17c: {  	s0 =	simm.s32 @!p0 $0x9  }
0x17d: {  	_ =	swait.ge @!p0 [sflag:s0], s1  }
0x17e: {  	s1 =	ssub.s32 @!p0 $0x0, s1;
	[sflag:s0] =	ssyncset.done @!p0 $0x0  }
0x17f: {  	[sflag:s0] =	ssyncadd.s32 @!p0 s1  }
0x180: {  	[bflag:$0x3] =	sbarrier.arrive $0xFFFF  }
0x181: {  	_ =	shalt  }

</sc_bundles>
